<compile_context>
chip_gen: v7x
topology: tpu7x:2x2x1
jax: 0.10.2.dev20260603
libtpu: 0.0.44.dev20260713+nightly
codegen_flags: <defaults>
</compile_context>

<pallas_src>
import functools

import jax
import jax.numpy as jnp
from jax import lax
from jax.experimental import pallas as pl
from jax.experimental.pallas import tpu as pltpu
from jax.experimental.pallas import tpu_sc as plsc

B, N, C, H = 2, 4096, 768, 12
DH = C // H
NSEL = max(1, int(0.1 * (N - 1)))
LPAD = 416
NCHUNK = (B * LPAD) // 16
NW = 32
SCALE = DH ** -0.5

def _sc_mesh():
  return plsc.VectorSubcoreMesh(core_axis_name="c", subcore_axis_name="s",
                                num_cores=2, num_subcores=16)


def _thr_body(cls_ref, thr_ref):
  v = cls_ref[0]
  vb = lax.bitcast_convert_type(v, jnp.int32)
  flat = (lax.broadcasted_iota(jnp.int32, (8, 512), 0) * 512 +
          lax.broadcasted_iota(jnp.int32, (8, 512), 1))
  vb = jnp.where(flat == 0, jnp.int32(-(2 ** 31)), vb)

  def cge(t):
    return jnp.sum((vb >= t).astype(jnp.int32))

  def body(_, lohi):
    lo, hi = lohi
    step = jnp.maximum((hi - lo) // 8, 1)
    new_lo, new_hi = lo, hi
    for i in range(1, 8):
      t = lo + step * i
      sel = cge(t) >= NSEL
      new_lo = jnp.where(sel, jnp.maximum(new_lo, t), new_lo)
      new_hi = jnp.where(sel, new_hi, jnp.minimum(new_hi, t))
    return new_lo, new_hi

  lo, _ = lax.fori_loop(0, 12, body, (jnp.int32(0), jnp.int32(1 << 30)))
  cnt_gt = cge(lo + 1)
  r = lax.broadcasted_iota(jnp.int32, (8, 128), 0)
  cidx = lax.broadcasted_iota(jnp.int32, (8, 128), 1)
  out = jnp.where((r == 0) & (cidx == 0), lo,
                  jnp.where((r == 0) & (cidx == 1), cnt_gt, 0))
  thr_ref[0] = out


def _thr_call(cls3):
  return pl.pallas_call(
      _thr_body,
      grid=(B,),
      in_specs=[pl.BlockSpec((1, 8, 512), lambda b: (b, 0, 0))],
      out_specs=pl.BlockSpec((1, 8, 128), lambda b: (b, 0, 0)),
      out_shape=jax.ShapeDtypeStruct((B, 8, 128), jnp.int32),
  )(cls3)


_NJ = LPAD // 16


@functools.cache
def _sc_selgather():
  @functools.partial(
      pl.kernel,
      mesh=_sc_mesh(),
      compiler_params=pltpu.CompilerParams(needs_layout_passes=False),
      out_type=(
          jax.ShapeDtypeStruct((B * LPAD, C), jnp.float32),
          jax.ShapeDtypeStruct((NCHUNK, 1, 16), jnp.int32),
      ),
      scratch_types=[
          pltpu.VMEM((N // 16, 16), jnp.float32),
          pltpu.VMEM((2 * N,), jnp.int32),
          pltpu.VMEM((_NJ, 1, 16), jnp.int32),
          pltpu.VMEM((16,), jnp.int32),
          pltpu.VMEM((16, C), jnp.float32),
          pltpu.SemaphoreType.DMA,
      ],
  )
  def selgather(x_hbm, cls_hbm, thr_hbm, out_hbm, idx_out_hbm,
                vals_v, buf_v, idx_v, thr_v, rows_v, sem):
    c = lax.axis_index("c")
    s = lax.axis_index("s")
    iota = lax.iota(jnp.int32, 16)

    b = s % B
    pltpu.sync_copy(cls_hbm.at[b], vals_v)
    pltpu.sync_copy(thr_hbm.at[b, 0, pl.ds(0, 16)], thr_v)
    v16 = thr_v[...]
    zero = jnp.int32(0)
    t_s = jnp.sum(jnp.where(iota == 0, v16, zero))
    cnt_gt_s = jnp.sum(jnp.where(iota == 1, v16, zero))

    def body(i, offs):
      off_gt, off_eq = offs
      vb = plsc.bitcast(vals_v[i], jnp.int32)
      idxv = i * 16 + iota
      valid = idxv > 0
      m_gt = (vb > t_s) & valid
      m_eq = (vb == t_s) & valid
      ones_gt = jnp.where(m_gt, 1, 0)
      ones_eq = jnp.where(m_eq, 1, 0)
      cs_gt = plsc.cumsum(ones_gt)
      cs_eq = plsc.cumsum(ones_eq)
      plsc.store_scatter(buf_v, [off_gt + cs_gt - 1], idxv, mask=m_gt)
      plsc.store_scatter(buf_v, [N + off_eq + cs_eq - 1], idxv, mask=m_eq)
      return off_gt + jnp.sum(ones_gt), off_eq + jnp.sum(ones_eq)

    lax.fori_loop(0, N // 16, body, (jnp.int32(0), jnp.int32(0)),
                  unroll=False)

    for j in range(_NJ):
      jv = jnp.minimum(j * 16 + iota, NSEL - 1)
      use_gt = jv < cnt_gt_s
      pos = jnp.where(use_gt, jv, N + jv - cnt_gt_s)
      merged = plsc.load_gather(buf_v, [pos])
      idx_v[j, 0] = merged + b * N

    @pl.when((c == 0) & (s < B))
    def _():
      pltpu.sync_copy(idx_v, idx_out_hbm.at[pl.ds(s * _NJ, _NJ)])

    u = (s // B) * 2 + c

    def do(j):
      pltpu.async_copy(x_hbm.at[idx_v.at[j, 0]], rows_v, sem).wait()
      pltpu.sync_copy(rows_v, out_hbm.at[pl.ds((b * _NJ + j) * 16, 16)])

    @pl.when(u < _NJ)
    def _():
      do(u)

    @pl.when(u + 16 < _NJ)
    def _():
      do(u + 16)

  return selgather


@functools.cache
def _sc_scatter():
  @functools.partial(
      pl.kernel,
      mesh=_sc_mesh(),
      out_type=(),
      scratch_types=[
          pltpu.VMEM((16,), jnp.int32),
          pltpu.VMEM((16, C), jnp.float32),
          pltpu.VMEM((16,), jnp.int32),
          pltpu.VMEM((16, C), jnp.float32),
          pltpu.SemaphoreType.DMA,
          pltpu.SemaphoreType.DMA,
          pltpu.SemaphoreType.DMA,
      ],
  )
  def scatter(out_ref, loc_hbm, idx_hbm, idx_v, rows_v, idx_v2, rows_v2,
              sem_i, sem_r, sem_s):
    wid = lax.axis_index("s") * 2 + lax.axis_index("c")
    c1 = wid
    c2 = wid + NW

    li1 = pltpu.async_copy(idx_hbm.at[c1, 0], idx_v, sem_i)
    lr1 = pltpu.async_copy(loc_hbm.at[pl.ds(c1 * 16, 16)], rows_v, sem_r)
    li1.wait()
    lr1.wait()
    s1 = pltpu.async_copy(rows_v, out_ref.at[idx_v], sem_s)

    @pl.when(c2 < NCHUNK)
    def _():
      li2 = pltpu.async_copy(idx_hbm.at[c2, 0], idx_v2, sem_i)
      lr2 = pltpu.async_copy(loc_hbm.at[pl.ds(c2 * 16, 16)], rows_v2, sem_r)
      li2.wait()
      lr2.wait()

    s1.wait()

    @pl.when(c2 < NCHUNK)
    def _():
      pltpu.async_copy(rows_v2, out_ref.at[idx_v2], sem_s).wait()

  return scatter


def _kv_body(x_ref, wkv_ref, bkv_ref, kv_ref, cp_ref, wbf_ref):
  @pl.when((pl.program_id(0) == 0) & (pl.program_id(1) == 0))
  def _():
    wbf_ref[...] = wkv_ref[...].astype(jnp.bfloat16)

  xb = x_ref[0].astype(jnp.bfloat16)
  kv = lax.dot_general(xb, wbf_ref[...],
                       dimension_numbers=(((1,), (1,)), ((), ())),
                       preferred_element_type=jnp.float32)
  kv = kv + bkv_ref[...]
  kv_ref[0] = kv.astype(jnp.bfloat16)
  cp_ref[...] = x_ref[...]


_KV_NB = 4
_KV_BLK = N // _KV_NB


def _kv_call(x, wkv_t_bf, bkv2):
  return pl.pallas_call(
      _kv_body,
      grid=(B, _KV_NB),
      in_specs=[
          pl.BlockSpec((1, _KV_BLK, C), lambda b, nb: (b, nb, 0)),
          pl.BlockSpec((2 * C, C), lambda b, nb: (0, 0)),
          pl.BlockSpec((1, 2 * C), lambda b, nb: (0, 0)),
      ],
      out_specs=[
          pl.BlockSpec((1, _KV_BLK, 2 * C), lambda b, nb: (b, nb, 0)),
          pl.BlockSpec((1, _KV_BLK, C), lambda b, nb: (b, nb, 0)),
      ],
      out_shape=[
          jax.ShapeDtypeStruct((B, N, 2 * C), jnp.bfloat16),
          jax.ShapeDtypeStruct((B, N, C), jnp.float32),
      ],
      scratch_shapes=[pltpu.VMEM((2 * C, C), jnp.bfloat16)],
  )(x, wkv_t_bf, bkv2)


HPG = 6
G = H // HPG


def _attn_body(selq_ref, wq_ref, bq_ref, k_ref, v_ref, wp_ref, bp_ref,
               loc_ref, pacc_ref):
  g = pl.program_id(1)
  q2 = lax.dot_general(selq_ref[0].astype(jnp.bfloat16),
                       wq_ref[...].astype(jnp.bfloat16),
                       dimension_numbers=(((1,), (1,)), ((), ())),
                       preferred_element_type=jnp.float32)
  q2b = ((q2 + bq_ref[...]) * SCALE).astype(jnp.bfloat16)
  k2 = k_ref[0]
  v2 = v_ref[0]

  contrib = []
  for half in range(HPG):
    sl = slice(half * DH, (half + 1) * DH)
    logits = lax.dot_general(
        q2b[:, sl], k2[:, sl],
        dimension_numbers=(((1,), (1,)), ((), ())),
        preferred_element_type=jnp.float32)
    p = jnp.exp(logits)
    s = jnp.sum(p, axis=1, keepdims=True)
    o = lax.dot_general(
        p.astype(jnp.bfloat16), v2[:, sl],
        dimension_numbers=(((1,), (0,)), ((), ())),
        preferred_element_type=jnp.float32)
    o = o / s
    contrib.append(lax.dot_general(
        o.astype(jnp.bfloat16), wp_ref[:, sl].astype(jnp.bfloat16),
        dimension_numbers=(((1,), (1,)), ((), ())),
        preferred_element_type=jnp.float32))

  total = sum(contrib)

  @pl.when(g == 0)
  def _():
    pacc_ref[...] = total + bp_ref[...]

  @pl.when(g > 0)
  def _():
    pacc_ref[...] += total

  @pl.when(g == G - 1)
  def _():
    loc_ref[0] = pacc_ref[...]


def _attn_call(selq_bf, wq_t_bf, bq2, kv_bf, wp_t_bf, bp2):
  return pl.pallas_call(
      _attn_body,
      grid=(B, G),
      in_specs=[
          pl.BlockSpec((1, LPAD, C), lambda b, g: (b, 0, 0)),
          pl.BlockSpec((HPG * DH, C), lambda b, g: (g, 0)),
          pl.BlockSpec((1, HPG * DH), lambda b, g: (0, g)),
          pl.BlockSpec((1, N, HPG * DH), lambda b, g: (b, 0, g)),
          pl.BlockSpec((1, N, HPG * DH), lambda b, g: (b, 0, g + G)),
          pl.BlockSpec((C, HPG * DH), lambda b, g: (0, g)),
          pl.BlockSpec((1, C), lambda b, g: (0, 0)),
      ],
      out_specs=pl.BlockSpec((1, LPAD, C), lambda b, g: (b, 0, 0)),
      out_shape=jax.ShapeDtypeStruct((B, LPAD, C), jnp.float32),
      scratch_shapes=[pltpu.VMEM((LPAD, C), jnp.float32)],
  )(selq_bf, wq_t_bf, bq2, kv_bf, kv_bf, wp_t_bf, bp2)


def kernel(x, attention_rollout, Wq, bq, Wkv, bkv, Wp, bp):
  cls = attention_rollout[:, 0, :]
  thr = _thr_call(cls.reshape(B, 8, 512))

  x2 = x.reshape(B * N, C)
  selq, flat_idx = _sc_selgather()(x2, cls.reshape(B, N // 16, 16), thr)
  selq3 = selq.reshape(B, LPAD, C)

  kv_bf, out_cp = _kv_call(x, Wkv, bkv.reshape(1, 2 * C))
  loc = _attn_call(selq3, Wq, bq.reshape(1, C), kv_bf, Wp,
                   bp.reshape(1, C))

  out_ref = jax.new_ref(out_cp.reshape(B * N, C))
  _sc_scatter()(out_ref, loc.reshape(B * LPAD, C), flat_idx)
  return jax.freeze(out_ref).reshape(B, N, C)

# --- scband reference (transcript-rebuilt; emitter-appended) ---
"""Pipeline reference for scband-global-local-cross-attention-15994458211158 (READ-ONLY COPY).

The authoritative reference and input builder live on the scoring server;
editing this copy changes nothing except your own understanding.
"""

import jax, jax.numpy as jnp
import numpy as np

B, N, C, H = 2, 4096, 768, 12
DH = C // H
LOCAL_RATIO = 0.1

def setup_inputs(seed: int = 0) -> dict:
    key = jax.random.key(seed)
    ks = jax.random.split(key, 8)
    x = jax.random.normal(ks[0], (B, N, C), dtype=jnp.float32)
    attention_rollout = jax.random.uniform(ks[1], (B, N, N), dtype=jnp.float32)
    s = 1.0 / np.sqrt(C)
    Wq = jax.random.normal(ks[2], (C, C), dtype=jnp.float32) * s
    bq = jnp.zeros((C,), dtype=jnp.float32)
    Wkv = jax.random.normal(ks[3], (2 * C, C), dtype=jnp.float32) * s
    bkv = jnp.zeros((2 * C,), dtype=jnp.float32)
    Wp = jax.random.normal(ks[4], (C, C), dtype=jnp.float32) * s
    bp = jnp.zeros((C,), dtype=jnp.float32)
    return {"x": x, "attention_rollout": attention_rollout, "Wq": Wq, "bq": bq, "Wkv": Wkv, "bkv": bkv, "Wp": Wp, "bp": bp}

def reference(x, attention_rollout, Wq, bq, Wkv, bkv, Wp, bp):
    # select_top_queries: CLS-token attention to patch tokens
    cls_attention = attention_rollout[:, 0, 1:]  # (B, N-1)
    num_sel = max(1, int(LOCAL_RATIO * (N - 1)))
    _, top_idx = jax.lax.top_k(cls_attention, num_sel)  # (B, num_sel)
    top_idx = top_idx + 1
    sel_q = jnp.take_along_axis(x, top_idx[:, :, None], axis=1)  # (B, num_sel, C)
    scale = DH ** (-0.5)
    q = (sel_q @ Wq.T + bq).reshape(B, num_sel, H, DH).transpose(0, 2, 1, 3)  # (B,H,L,dh)
    kv = (x @ Wkv.T + bkv).reshape(B, N, 2, H, DH).transpose(2, 0, 3, 1, 4)  # (2,B,H,N,dh)
    k, v = kv[0], kv[1]
    attn = q @ k.transpose(0, 1, 3, 2) * scale  # (B,H,L,N)
    attn = jax.nn.softmax(attn, axis=-1)
    local_out = (attn @ v).transpose(0, 2, 1, 3).reshape(B, num_sel, C)
    local_out = local_out @ Wp.T + bp
    # scatter local outputs back; non-selected positions pass through x
    bidx = jnp.arange(B)[:, None]
    out = x.at[bidx, top_idx].set(local_out)
    return out

if __name__ == "__main__":
    import jax
    _d = setup_inputs()
    print(jax.jit(kernel)(*tuple(_d.values())))

</pallas_src>

<mosaic_0001>
#map = affine_map<(d0, d1) -> (0, 0)>
#map1 = affine_map<(d0, d1) -> (0, 0, 0)>
module attributes {stable_mosaic.version = 14 : i64} {
  func.func @new_body(%arg0: i32, %arg1: i32, %arg2: memref<8192x768xf32, #tpu.memory_space<hbm>>, %arg3: memref<832x768xf32, #tpu.memory_space<hbm>>, %arg4: memref<52x1x16xi32, #tpu.memory_space<hbm>>, %arg5: memref<8192x768xf32, #tpu.memory_space<hbm>>, %arg6: memref<16xi32, #tpu.memory_space<vmem>>, %arg7: memref<16x768xf32, #tpu.memory_space<vmem>>, %arg8: memref<16xi32, #tpu.memory_space<vmem>>, %arg9: memref<16x768xf32, #tpu.memory_space<vmem>>, %arg10: memref<!tpu.dma_semaphore, #tpu.memory_space<semaphore_mem>>, %arg11: memref<!tpu.dma_semaphore, #tpu.memory_space<semaphore_mem>>, %arg12: memref<!tpu.dma_semaphore, #tpu.memory_space<semaphore_mem>>) attributes {dimension_semantics = [#tpu.dimension_semantics<core_parallel>, #tpu.dimension_semantics<subcore_parallel>], iteration_bounds = array<i64: 2, 16>, scalar_prefetch = 0 : i64, scratch_operands = 7 : i64, tpu.core_type = #tpu.core_type<sc_vector_subcore>, window_params = [{transform_indices = #map}, {transform_indices = #map}, {transform_indices = #map1}, {transform_indices = #map}]} {
    %mul3A = arith.constant 2 : i32
    %mul3A_0 = arith.muli %arg1, %mul3A : i32
    %add3A = arith.addi %mul3A_0, %arg0 : i32
    %add3A_1 = arith.constant 32 : i32
    %add3A_2 = arith.addi %add3A, %add3A_1 : i32
    %dma_start3A = arith.constant 0 : i32
    %dma_start3A_3 = arith.constant 0 : i32
    %dma_start3A_4 = tpu.memref_slice %arg4[%add3A, %dma_start3A, %dma_start3A_3] : memref<52x1x16xi32, #tpu.memory_space<hbm>> -> memref<1x1x16xi32, #tpu.memory_space<hbm>>
    %dma_start3A_5 = tpu.memref_squeeze %dma_start3A_4 : memref<1x1x16xi32, #tpu.memory_space<hbm>> -> memref<16xi32, #tpu.memory_space<hbm>>
    %dma_start3A_6 = arith.constant 0 : i32
    %dma_start3A_7 = tpu.memref_slice %arg4[%add3A, %dma_start3A, %dma_start3A_6] : memref<52x1x16xi32, #tpu.memory_space<hbm>> -> memref<1x1x16xi32, #tpu.memory_space<hbm>>
    %dma_start3A_8 = tpu.memref_squeeze %dma_start3A_7 : memref<1x1x16xi32, #tpu.memory_space<hbm>> -> memref<16xi32, #tpu.memory_space<hbm>>
    tpu.enqueue_dma source(%dma_start3A_8 : memref<16xi32, #tpu.memory_space<hbm>>) target(%arg6 : memref<16xi32, #tpu.memory_space<vmem>>) target_semaphore(%arg10 : memref<!tpu.dma_semaphore, #tpu.memory_space<semaphore_mem>>)
    %mul3A_9 = arith.constant 16 : i32
    %mul3A_10 = arith.muli %add3A, %mul3A_9 : i32
    %dma_start3A_11 = arith.constant 0 : i32
    %dma_start3A_12 = tpu.memref_slice %arg3[%mul3A_10, %dma_start3A_11] : memref<832x768xf32, #tpu.memory_space<hbm>> -> memref<16x768xf32, #tpu.memory_space<hbm>>
    %dma_start3A_13 = arith.constant 0 : i32
    %dma_start3A_14 = tpu.memref_slice %arg3[%mul3A_10, %dma_start3A_13] : memref<832x768xf32, #tpu.memory_space<hbm>> -> memref<16x768xf32, #tpu.memory_space<hbm>>
    tpu.enqueue_dma source(%dma_start3A_14 : memref<16x768xf32, #tpu.memory_space<hbm>>) target(%arg7 : memref<16x768xf32, #tpu.memory_space<vmem>>) target_semaphore(%arg11 : memref<!tpu.dma_semaphore, #tpu.memory_space<semaphore_mem>>)
    %dma_wait3A = arith.constant 0 : i32
    %dma_wait3A_15 = arith.constant 0 : i32
    %dma_wait3A_16 = tpu.memref_slice %arg4[%add3A, %dma_wait3A, %dma_wait3A_15] : memref<52x1x16xi32, #tpu.memory_space<hbm>> -> memref<1x1x16xi32, #tpu.memory_space<hbm>>
    %dma_wait3A_17 = tpu.memref_squeeze %dma_wait3A_16 : memref<1x1x16xi32, #tpu.memory_space<hbm>> -> memref<16xi32, #tpu.memory_space<hbm>>
    %dma_wait3A_18 = arith.constant 0 : i32
    %dma_wait3A_19 = tpu.memref_slice %arg4[%add3A, %dma_wait3A, %dma_wait3A_18] : memref<52x1x16xi32, #tpu.memory_space<hbm>> -> memref<1x1x16xi32, #tpu.memory_space<hbm>>
    %dma_wait3A_20 = tpu.memref_squeeze %dma_wait3A_19 : memref<1x1x16xi32, #tpu.memory_space<hbm>> -> memref<16xi32, #tpu.memory_space<hbm>>
    tpu.wait_dma2 semaphore(%arg10 : memref<!tpu.dma_semaphore, #tpu.memory_space<semaphore_mem>>) src(%dma_wait3A_20 : memref<16xi32, #tpu.memory_space<hbm>>) dst(%arg6 : memref<16xi32, #tpu.memory_space<vmem>>)
    %dma_wait3A_21 = arith.constant 0 : i32
    %dma_wait3A_22 = tpu.memref_slice %arg3[%mul3A_10, %dma_wait3A_21] : memref<832x768xf32, #tpu.memory_space<hbm>> -> memref<16x768xf32, #tpu.memory_space<hbm>>
    %dma_wait3A_23 = arith.constant 0 : i32
    %dma_wait3A_24 = tpu.memref_slice %arg3[%mul3A_10, %dma_wait3A_23] : memref<832x768xf32, #tpu.memory_space<hbm>> -> memref<16x768xf32, #tpu.memory_space<hbm>>
    tpu.wait_dma2 semaphore(%arg11 : memref<!tpu.dma_semaphore, #tpu.memory_space<semaphore_mem>>) src(%dma_wait3A_24 : memref<16x768xf32, #tpu.memory_space<hbm>>) dst(%arg7 : memref<16x768xf32, #tpu.memory_space<vmem>>)
    %dma_start3A_25 = arith.constant 0 : i32
    %dma_start3A_26 = arith.constant 0 : i32
    %dma_start3A_27 = tpu.memref_slice %arg2[%dma_start3A_25, %dma_start3A_26] : memref<8192x768xf32, #tpu.memory_space<hbm>> -> memref<8192x768xf32, #tpu.memory_space<hbm>>
    tpu.enqueue_indirect_dma source(%arg7 : memref<16x768xf32, #tpu.memory_space<vmem>>) target(%dma_start3A_27 : memref<8192x768xf32, #tpu.memory_space<hbm>>) offsets(%arg6 : memref<16xi32, #tpu.memory_space<vmem>>) semaphore(%arg12 : memref<!tpu.dma_semaphore, #tpu.memory_space<semaphore_mem>>)
    %lt3A = arith.constant 52 : i32
    %lt3A_28 = arith.cmpi slt, %add3A_2, %lt3A : i32
    %convert_element_type3A = arith.extui %lt3A_28 : i1 to i32
    %cond3A = arith.constant 0 : i32
    %cond3A_29 = arith.cmpi ne, %convert_element_type3A, %cond3A : i32
    scf.if %cond3A_29 {
      %dma_start3A_38 = arith.constant 0 : i32
      %dma_start3A_39 = arith.constant 0 : i32
      %dma_start3A_40 = tpu.memref_slice %arg4[%add3A_2, %dma_start3A_38, %dma_start3A_39] : memref<52x1x16xi32, #tpu.memory_space<hbm>> -> memref<1x1x16xi32, #tpu.memory_space<hbm>>
      %dma_start3A_41 = tpu.memref_squeeze %dma_start3A_40 : memref<1x1x16xi32, #tpu.memory_space<hbm>> -> memref<16xi32, #tpu.memory_space<hbm>>
      %dma_start3A_42 = arith.constant 0 : i32
      %dma_start3A_43 = tpu.memref_slice %arg4[%add3A_2, %dma_start3A_38, %dma_start3A_42] : memref<52x1x16xi32, #tpu.memory_space<hbm>> -> memref<1x1x16xi32, #tpu.memory_space<hbm>>
      %dma_start3A_44 = tpu.memref_squeeze %dma_start3A_43 : memref<1x1x16xi32, #tpu.memory_space<hbm>> -> memref<16xi32, #tpu.memory_space<hbm>>
      tpu.enqueue_dma source(%dma_start3A_44 : memref<16xi32, #tpu.memory_space<hbm>>) target(%arg8 : memref<16xi32, #tpu.memory_space<vmem>>) target_semaphore(%arg10 : memref<!tpu.dma_semaphore, #tpu.memory_space<semaphore_mem>>)
      %mul3A_45 = arith.constant 16 : i32
      %mul3A_46 = arith.muli %add3A_2, %mul3A_45 : i32
      %dma_start3A_47 = arith.constant 0 : i32
      %dma_start3A_48 = tpu.memref_slice %arg3[%mul3A_46, %dma_start3A_47] : memref<832x768xf32, #tpu.memory_space<hbm>> -> memref<16x768xf32, #tpu.memory_space<hbm>>
      %dma_start3A_49 = arith.constant 0 : i32
      %dma_start3A_50 = tpu.memref_slice %arg3[%mul3A_46, %dma_start3A_49] : memref<832x768xf32, #tpu.memory_space<hbm>> -> memref<16x768xf32, #tpu.memory_space<hbm>>
      tpu.enqueue_dma source(%dma_start3A_50 : memref<16x768xf32, #tpu.memory_space<hbm>>) target(%arg9 : memref<16x768xf32, #tpu.memory_space<vmem>>) target_semaphore(%arg11 : memref<!tpu.dma_semaphore, #tpu.memory_space<semaphore_mem>>)
      %dma_wait3A_51 = arith.constant 0 : i32
      %dma_wait3A_52 = arith.constant 0 : i32
      %dma_wait3A_53 = tpu.memref_slice %arg4[%add3A_2, %dma_wait3A_51, %dma_wait3A_52] : memref<52x1x16xi32, #tpu.memory_space<hbm>> -> memref<1x1x16xi32, #tpu.memory_space<hbm>>
      %dma_wait3A_54 = tpu.memref_squeeze %dma_wait3A_53 : memref<1x1x16xi32, #tpu.memory_space<hbm>> -> memref<16xi32, #tpu.memory_space<hbm>>
      %dma_wait3A_55 = arith.constant 0 : i32
      %dma_wait3A_56 = tpu.memref_slice %arg4[%add3A_2, %dma_wait3A_51, %dma_wait3A_55] : memref<52x1x16xi32, #tpu.memory_space<hbm>> -> memref<1x1x16xi32, #tpu.memory_space<hbm>>
      %dma_wait3A_57 = tpu.memref_squeeze %dma_wait3A_56 : memref<1x1x16xi32, #tpu.memory_space<hbm>> -> memref<16xi32, #tpu.memory_space<hbm>>
      tpu.wait_dma2 semaphore(%arg10 : memref<!tpu.dma_semaphore, #tpu.memory_space<semaphore_mem>>) src(%dma_wait3A_57 : memref<16xi32, #tpu.memory_space<hbm>>) dst(%arg8 : memref<16xi32, #tpu.memory_space<vmem>>)
      %dma_wait3A_58 = arith.constant 0 : i32
      %dma_wait3A_59 = tpu.memref_slice %arg3[%mul3A_46, %dma_wait3A_58] : memref<832x768xf32, #tpu.memory_space<hbm>> -> memref<16x768xf32, #tpu.memory_space<hbm>>
      %dma_wait3A_60 = arith.constant 0 : i32
      %dma_wait3A_61 = tpu.memref_slice %arg3[%mul3A_46, %dma_wait3A_60] : memref<832x768xf32, #tpu.memory_space<hbm>> -> memref<16x768xf32, #tpu.memory_space<hbm>>
      tpu.wait_dma2 semaphore(%arg11 : memref<!tpu.dma_semaphore, #tpu.memory_space<semaphore_mem>>) src(%dma_wait3A_61 : memref<16x768xf32, #tpu.memory_space<hbm>>) dst(%arg9 : memref<16x768xf32, #tpu.memory_space<vmem>>)
    } else {
    }
    %dma_wait3A_30 = arith.constant 0 : i32
    %dma_wait3A_31 = arith.constant 0 : i32
    %dma_wait3A_32 = tpu.memref_slice %arg2[%dma_wait3A_30, %dma_wait3A_31] : memref<8192x768xf32, #tpu.memory_space<hbm>> -> memref<8192x768xf32, #tpu.memory_space<hbm>>
    tpu.wait_indirect_dma semaphore(%arg12 : memref<!tpu.dma_semaphore, #tpu.memory_space<semaphore_mem>>) src(%arg7 : memref<16x768xf32, #tpu.memory_space<vmem>>) dst(%dma_wait3A_32 : memref<8192x768xf32, #tpu.memory_space<hbm>>)
    %lt3A_33 = arith.constant 52 : i32
    %lt3A_34 = arith.cmpi slt, %add3A_2, %lt3A_33 : i32
    %convert_element_type3A_35 = arith.extui %lt3A_34 : i1 to i32
    %cond3A_36 = arith.constant 0 : i32
    %cond3A_37 = arith.cmpi ne, %convert_element_type3A_35, %cond3A_36 : i32
    scf.if %cond3A_37 {
      %dma_start3A_38 = arith.constant 0 : i32
      %dma_start3A_39 = arith.constant 0 : i32
      %dma_start3A_40 = tpu.memref_slice %arg2[%dma_start3A_38, %dma_start3A_39] : memref<8192x768xf32, #tpu.memory_space<hbm>> -> memref<8192x768xf32, #tpu.memory_space<hbm>>
      tpu.enqueue_indirect_dma source(%arg9 : memref<16x768xf32, #tpu.memory_space<vmem>>) target(%dma_start3A_40 : memref<8192x768xf32, #tpu.memory_space<hbm>>) offsets(%arg8 : memref<16xi32, #tpu.memory_space<vmem>>) semaphore(%arg12 : memref<!tpu.dma_semaphore, #tpu.memory_space<semaphore_mem>>)
      %dma_wait3A_41 = arith.constant 0 : i32
      %dma_wait3A_42 = arith.constant 0 : i32
      %dma_wait3A_43 = tpu.memref_slice %arg2[%dma_wait3A_41, %dma_wait3A_42] : memref<8192x768xf32, #tpu.memory_space<hbm>> -> memref<8192x768xf32, #tpu.memory_space<hbm>>
      tpu.wait_indirect_dma semaphore(%arg12 : memref<!tpu.dma_semaphore, #tpu.memory_space<semaphore_mem>>) src(%arg9 : memref<16x768xf32, #tpu.memory_space<vmem>>) dst(%dma_wait3A_43 : memref<8192x768xf32, #tpu.memory_space<hbm>>)
    } else {
    }
    return
  }
}

#map = affine_map<(d0, d1) -> (0, 0)>
#map1 = affine_map<(d0, d1) -> (0, 0, 0)>
module attributes {stable_mosaic.version = 14 : i64} {
  func.func @selgather(%arg0: i32, %arg1: i32, %arg2: memref<8192x768xf32, #tpu.memory_space<hbm>>, %arg3: memref<2x256x16xf32, #tpu.memory_space<hbm>>, %arg4: memref<2x8x128xi32, #tpu.memory_space<hbm>>, %arg5: memref<832x768xf32, #tpu.memory_space<hbm>>, %arg6: memref<52x1x16xi32, #tpu.memory_space<hbm>>, %arg7: memref<256x16xf32, #tpu.memory_space<vmem>>, %arg8: memref<8192xi32, #tpu.memory_space<vmem>>, %arg9: memref<26x1x16xi32, #tpu.memory_space<vmem>>, %arg10: memref<16xi32, #tpu.memory_space<vmem>>, %arg11: memref<16x768xf32, #tpu.memory_space<vmem>>, %arg12: memref<!tpu.dma_semaphore, #tpu.memory_space<semaphore_mem>>) attributes {dimension_semantics = [#tpu.dimension_semantics<core_parallel>, #tpu.dimension_semantics<subcore_parallel>], iteration_bounds = array<i64: 2, 16>, scalar_prefetch = 0 : i64, scratch_operands = 6 : i64, tpu.core_type = #tpu.core_type<sc_vector_subcore>, window_params = [{transform_indices = #map}, {transform_indices = #map1}, {transform_indices = #map1}, {transform_indices = #map}, {transform_indices = #map1}]} {
    %iota3A = tpu.iota {dimensions = array<i32: 0>} : vector<16xi32>
    %jit3A = arith.constant 2 : i32
    %eq3A = arith.constant 0 : i32
    %eq3A_0 = arith.cmpi eq, %jit3A, %eq3A : i32
    %jit3A_1 = arith.constant 1 : i32
    %select_n3A = arith.select %eq3A_0, %jit3A_1, %jit3A : i32
    %rem3A = arith.remsi %arg1, %select_n3A : i32
    %ne3A = arith.constant 0 : i32
    %ne3A_2 = arith.cmpi ne, %rem3A, %ne3A : i32
    %lt3A = arith.constant 0 : i32
    %lt3A_3 = arith.cmpi slt, %rem3A, %lt3A : i32
    %lt3A_4 = arith.constant 0 : i32
    %lt3A_5 = arith.cmpi slt, %select_n3A, %lt3A_4 : i32
    %ne3A_6 = arith.xori %lt3A_3, %lt3A_5 : i1
    %and3A = arith.andi %ne3A_6, %ne3A_2 : i1
    %add3A = arith.addi %rem3A, %select_n3A : i32
    %select_n3A_7 = arith.select %and3A, %add3A, %rem3A : i32
    "tpu.region"() ({
      %run_scoped3A_722 = tpu.sem_alloc : memref<!tpu.dma_semaphore, #tpu.memory_space<semaphore_mem>>
      %dma_start3A = arith.constant 0 : i32
      %dma_start3A_723 = arith.constant 0 : i32
      %dma_start3A_724 = tpu.memref_slice %arg3[%select_n3A_7, %dma_start3A, %dma_start3A_723] : memref<2x256x16xf32, #tpu.memory_space<hbm>> -> memref<1x256x16xf32, #tpu.memory_space<hbm>>
      %dma_start3A_725 = tpu.memref_squeeze %dma_start3A_724 : memref<1x256x16xf32, #tpu.memory_space<hbm>> -> memref<256x16xf32, #tpu.memory_space<hbm>>
      %dma_start3A_726 = arith.constant 0 : i32
      %dma_start3A_727 = arith.constant 0 : i32
      %dma_start3A_728 = tpu.memref_slice %arg3[%select_n3A_7, %dma_start3A_726, %dma_start3A_727] : memref<2x256x16xf32, #tpu.memory_space<hbm>> -> memref<1x256x16xf32, #tpu.memory_space<hbm>>
      %dma_start3A_729 = tpu.memref_squeeze %dma_start3A_728 : memref<1x256x16xf32, #tpu.memory_space<hbm>> -> memref<256x16xf32, #tpu.memory_space<hbm>>
      tpu.enqueue_dma source(%dma_start3A_729 : memref<256x16xf32, #tpu.memory_space<hbm>>) target(%arg7 : memref<256x16xf32, #tpu.memory_space<vmem>>) target_semaphore(%run_scoped3A_722 : memref<!tpu.dma_semaphore, #tpu.memory_space<semaphore_mem>>)
      %dma_wait3A = arith.constant 0 : i32
      %dma_wait3A_730 = arith.constant 0 : i32
      %dma_wait3A_731 = tpu.memref_slice %arg3[%select_n3A_7, %dma_wait3A, %dma_wait3A_730] : memref<2x256x16xf32, #tpu.memory_space<hbm>> -> memref<1x256x16xf32, #tpu.memory_space<hbm>>
      %dma_wait3A_732 = tpu.memref_squeeze %dma_wait3A_731 : memref<1x256x16xf32, #tpu.memory_space<hbm>> -> memref<256x16xf32, #tpu.memory_space<hbm>>
      %dma_wait3A_733 = arith.constant 0 : i32
      %dma_wait3A_734 = arith.constant 0 : i32
      %dma_wait3A_735 = tpu.memref_slice %arg3[%select_n3A_7, %dma_wait3A_733, %dma_wait3A_734] : memref<2x256x16xf32, #tpu.memory_space<hbm>> -> memref<1x256x16xf32, #tpu.memory_space<hbm>>
      %dma_wait3A_736 = tpu.memref_squeeze %dma_wait3A_735 : memref<1x256x16xf32, #tpu.memory_space<hbm>> -> memref<256x16xf32, #tpu.memory_space<hbm>>
      tpu.wait_dma2 semaphore(%run_scoped3A_722 : memref<!tpu.dma_semaphore, #tpu.memory_space<semaphore_mem>>) src(%dma_wait3A_736 : memref<256x16xf32, #tpu.memory_space<hbm>>) dst(%arg7 : memref<256x16xf32, #tpu.memory_space<vmem>>)
      tpu.yield
    }) : () -> ()
    %run_scoped3A = arith.constant 0 : i32
    "tpu.region"() ({
      %run_scoped3A_722 = tpu.sem_alloc : memref<!tpu.dma_semaphore, #tpu.memory_space<semaphore_mem>>
      %dma_start3A = arith.constant 0 : i32
      %dma_start3A_723 = tpu.memref_slice %arg4[%select_n3A_7, %run_scoped3A, %dma_start3A] : memref<2x8x128xi32, #tpu.memory_space<hbm>> -> memref<1x1x16xi32, #tpu.memory_space<hbm>>
      %dma_start3A_724 = tpu.memref_squeeze %dma_start3A_723 : memref<1x1x16xi32, #tpu.memory_space<hbm>> -> memref<16xi32, #tpu.memory_space<hbm>>
      %dma_start3A_725 = arith.constant 0 : i32
      %dma_start3A_726 = tpu.memref_slice %arg4[%select_n3A_7, %run_scoped3A, %dma_start3A_725] : memref<2x8x128xi32, #tpu.memory_space<hbm>> -> memref<1x1x16xi32, #tpu.memory_space<hbm>>
      %dma_start3A_727 = tpu.memref_squeeze %dma_start3A_726 : memref<1x1x16xi32, #tpu.memory_space<hbm>> -> memref<16xi32, #tpu.memory_space<hbm>>
      tpu.enqueue_dma source(%dma_start3A_727 : memref<16xi32, #tpu.memory_space<hbm>>) target(%arg10 : memref<16xi32, #tpu.memory_space<vmem>>) target_semaphore(%run_scoped3A_722 : memref<!tpu.dma_semaphore, #tpu.memory_space<semaphore_mem>>)
      %dma_wait3A = arith.constant 0 : i32
      %dma_wait3A_728 = tpu.memref_slice %arg4[%select_n3A_7, %run_scoped3A, %dma_wait3A] : memref<2x8x128xi32, #tpu.memory_space<hbm>> -> memref<1x1x16xi32, #tpu.memory_space<hbm>>
      %dma_wait3A_729 = tpu.memref_squeeze %dma_wait3A_728 : memref<1x1x16xi32, #tpu.memory_space<hbm>> -> memref<16xi32, #tpu.memory_space<hbm>>
      %dma_wait3A_730 = arith.constant 0 : i32
      %dma_wait3A_731 = tpu.memref_slice %arg4[%select_n3A_7, %run_scoped3A, %dma_wait3A_730] : memref<2x8x128xi32, #tpu.memory_space<hbm>> -> memref<1x1x16xi32, #tpu.memory_space<hbm>>
      %dma_wait3A_732 = tpu.memref_squeeze %dma_wait3A_731 : memref<1x1x16xi32, #tpu.memory_space<hbm>> -> memref<16xi32, #tpu.memory_space<hbm>>
      tpu.wait_dma2 semaphore(%run_scoped3A_722 : memref<!tpu.dma_semaphore, #tpu.memory_space<semaphore_mem>>) src(%dma_wait3A_732 : memref<16xi32, #tpu.memory_space<hbm>>) dst(%arg10 : memref<16xi32, #tpu.memory_space<vmem>>)
      tpu.yield
    }) : () -> ()
    %get3A = arith.constant 0 : index
    %get3A_8 = tpu.vector_load %arg10[%get3A] {strides = array<i32>} : memref<16xi32, #tpu.memory_space<vmem>>, vector<16xi32>,
    %eq3A_9 = arith.constant 0 : i32
    %eq3A_10 = vector.broadcast %eq3A_9 : i32 to vector<16xi32>
    %eq3A_11 = arith.cmpi eq, %iota3A, %eq3A_10 : vector<16xi32>
    %jit3A_12 = arith.constant 0 : i32
    %broadcast_in_dim3A = vector.broadcast %jit3A_12 : i32 to vector<16xi32>
    %select_n3A_13 = arith.select %eq3A_11, %get3A_8, %broadcast_in_dim3A : vector<16xi1>, vector<16xi32>
    %reduce_sum3A = arith.constant true
    %reduce_sum3A_14 = vector.broadcast %reduce_sum3A : i1 to vector<16xi1>
    %reduce_sum3A_15 = tpu.scan <sum>, %select_n3A_13 masked %reduce_sum3A_14 : vector<16xi32>, vector<16xi1> -> vector<16xi32>
    %reduce_sum3A_16 = vector.extract %reduce_sum3A_15[15] : i32 from vector<16xi32>
    %eq3A_17 = arith.constant 1 : i32
    %eq3A_18 = vector.broadcast %eq3A_17 : i32 to vector<16xi32>
    %eq3A_19 = arith.cmpi eq, %iota3A, %eq3A_18 : vector<16xi32>
    %jit3A_20 = arith.constant 0 : i32
    %broadcast_in_dim3A_21 = vector.broadcast %jit3A_20 : i32 to vector<16xi32>
    %select_n3A_22 = arith.select %eq3A_19, %get3A_8, %broadcast_in_dim3A_21 : vector<16xi1>, vector<16xi32>
    %reduce_sum3A_23 = arith.constant true
    %reduce_sum3A_24 = vector.broadcast %reduce_sum3A_23 : i1 to vector<16xi1>
    %reduce_sum3A_25 = tpu.scan <sum>, %select_n3A_22 masked %reduce_sum3A_24 : vector<16xi32>, vector<16xi1> -> vector<16xi32>
    %reduce_sum3A_26 = vector.extract %reduce_sum3A_25[15] : i32 from vector<16xi32>
    %scan3A = arith.constant 0 : i32
    %scan3A_27 = arith.constant 0 : i32
    %scan3A_28 = arith.constant 0 : i32
    %scan3A_29 = arith.constant 256 : i32
    %scan3A_30 = arith.addi %scan3A_28, %scan3A_29 : i32
    %scan3A_31 = arith.constant 1 : i32
    %scan3A_32:2 = scf.for %scan3A_722 = %scan3A_28 to %scan3A_30 step %scan3A_31 iter_args(%scan3A_723 = %scan3A, %scan3A_724 = %scan3A_27) -> (i32, i32)  : i32 {
      %get3A_725 = arith.index_cast %scan3A_722 : i32 to index
      %get3A_726 = arith.constant 0 : index
      %get3A_727 = tpu.vector_load %arg7[%get3A_725, %get3A_726] {strides = array<i32>} : memref<256x16xf32, #tpu.memory_space<vmem>>, vector<16xf32>,
      %bitcast3A = vector.bitcast %get3A_727 : vector<16xf32> to vector<16xi32>
      %mul3A_728 = arith.constant 16 : i32
      %mul3A_729 = arith.muli %scan3A_722, %mul3A_728 : i32
      %add3A_730 = vector.broadcast %mul3A_729 : i32 to vector<16xi32>
      %add3A_731 = arith.addi %add3A_730, %iota3A : vector<16xi32>
      %gt3A = arith.constant 0 : i32
      %gt3A_732 = vector.broadcast %gt3A : i32 to vector<16xi32>
      %gt3A_733 = arith.cmpi sgt, %add3A_731, %gt3A_732 : vector<16xi32>
      %gt3A_734 = vector.broadcast %reduce_sum3A_16 : i32 to vector<16xi32>
      %gt3A_735 = arith.cmpi sgt, %bitcast3A, %gt3A_734 : vector<16xi32>
      %and3A_736 = arith.andi %gt3A_735, %gt3A_733 : vector<16xi1>
      %eq3A_737 = vector.broadcast %reduce_sum3A_16 : i32 to vector<16xi32>
      %eq3A_738 = arith.cmpi eq, %bitcast3A, %eq3A_737 : vector<16xi32>
      %and3A_739 = arith.andi %eq3A_738, %gt3A_733 : vector<16xi1>
      %jit3A_740 = arith.constant 1 : i32
      %jit3A_741 = arith.constant 0 : i32
      %broadcast_in_dim3A_742 = vector.broadcast %jit3A_740 : i32 to vector<16xi32>
      %broadcast_in_dim3A_743 = vector.broadcast %jit3A_741 : i32 to vector<16xi32>
      %select_n3A_744 = arith.select %and3A_736, %broadcast_in_dim3A_742, %broadcast_in_dim3A_743 : vector<16xi1>, vector<16xi32>
      %jit3A_745 = arith.constant 1 : i32
      %jit3A_746 = arith.constant 0 : i32
      %broadcast_in_dim3A_747 = vector.broadcast %jit3A_745 : i32 to vector<16xi32>
      %broadcast_in_dim3A_748 = vector.broadcast %jit3A_746 : i32 to vector<16xi32>
      %select_n3A_749 = arith.select %and3A_739, %broadcast_in_dim3A_747, %broadcast_in_dim3A_748 : vector<16xi1>, vector<16xi32>
      %broadcast_in_dim3A_750 = arith.constant true
      %broadcast_in_dim3A_751 = vector.broadcast %broadcast_in_dim3A_750 : i1 to vector<16xi1>
      %masked_cumsum3A = tpu.scan <sum>, %select_n3A_744 masked %broadcast_in_dim3A_751 : vector<16xi32>, vector<16xi1> -> vector<16xi32>
      %broadcast_in_dim3A_752 = arith.constant true
      %broadcast_in_dim3A_753 = vector.broadcast %broadcast_in_dim3A_752 : i1 to vector<16xi1>
      %masked_cumsum3A_754 = tpu.scan <sum>, %select_n3A_749 masked %broadcast_in_dim3A_753 : vector<16xi32>, vector<16xi1> -> vector<16xi32>
      %add3A_755 = vector.broadcast %scan3A_723 : i32 to vector<16xi32>
      %add3A_756 = arith.addi %add3A_755, %masked_cumsum3A : vector<16xi32>
      %sub3A_757 = arith.constant 1 : i32
      %sub3A_758 = vector.broadcast %sub3A_757 : i32 to vector<16xi32>
      %sub3A_759 = arith.subi %add3A_756, %sub3A_758 : vector<16xi32>
      tpu.vector_store_idx %arg8[%sub3A_759], %add3A_731 masked %and3A_736 : memref<8192xi32, #tpu.memory_space<vmem>>[vector<16xi32>], vector<16xi32>, vector<16xi1>
      %add3A_760 = arith.constant 4096 : i32
      %add3A_761 = arith.addi %add3A_760, %scan3A_724 : i32
      %add3A_762 = vector.broadcast %add3A_761 : i32 to vector<16xi32>
      %add3A_763 = arith.addi %add3A_762, %masked_cumsum3A_754 : vector<16xi32>
      %sub3A_764 = arith.constant 1 : i32
      %sub3A_765 = vector.broadcast %sub3A_764 : i32 to vector<16xi32>
      %sub3A_766 = arith.subi %add3A_763, %sub3A_765 : vector<16xi32>
      tpu.vector_store_idx %arg8[%sub3A_766], %add3A_731 masked %and3A_739 : memref<8192xi32, #tpu.memory_space<vmem>>[vector<16xi32>], vector<16xi32>, vector<16xi1>
      %reduce_sum3A_767 = arith.constant true
      %reduce_sum3A_768 = vector.broadcast %reduce_sum3A_767 : i1 to vector<16xi1>
      %reduce_sum3A_769 = tpu.scan <sum>, %select_n3A_744 masked %reduce_sum3A_768 : vector<16xi32>, vector<16xi1> -> vector<16xi32>
      %reduce_sum3A_770 = vector.extract %reduce_sum3A_769[15] : i32 from vector<16xi32>
      %add3A_771 = arith.addi %scan3A_723, %reduce_sum3A_770 : i32
      %reduce_sum3A_772 = arith.constant true
      %reduce_sum3A_773 = vector.broadcast %reduce_sum3A_772 : i1 to vector<16xi1>
      %reduce_sum3A_774 = tpu.scan <sum>, %select_n3A_749 masked %reduce_sum3A_773 : vector<16xi32>, vector<16xi1> -> vector<16xi32>
      %reduce_sum3A_775 = vector.extract %reduce_sum3A_774[15] : i32 from vector<16xi32>
      %add3A_776 = arith.addi %scan3A_724, %reduce_sum3A_775 : i32
      scf.yield %add3A_771, %add3A_776 : i32, i32
    }
    %scan3A_33 = arith.constant 256 : i32
    %add3A_34 = arith.constant 0 : i32
    %add3A_35 = vector.broadcast %add3A_34 : i32 to vector<16xi32>
    %add3A_36 = arith.addi %add3A_35, %iota3A : vector<16xi32>
    %min3A = arith.constant 408 : i32
    %min3A_37 = vector.broadcast %min3A : i32 to vector<16xi32>
    %min3A_38 = arith.minsi %add3A_36, %min3A_37 : vector<16xi32>
    %lt3A_39 = vector.broadcast %reduce_sum3A_26 : i32 to vector<16xi32>
    %lt3A_40 = arith.cmpi slt, %min3A_38, %lt3A_39 : vector<16xi32>
    %add3A_41 = arith.constant 4096 : i32
    %add3A_42 = vector.broadcast %add3A_41 : i32 to vector<16xi32>
    %add3A_43 = arith.addi %add3A_42, %min3A_38 : vector<16xi32>
    %sub3A = vector.broadcast %reduce_sum3A_26 : i32 to vector<16xi32>
    %sub3A_44 = arith.subi %add3A_43, %sub3A : vector<16xi32>
    %select_n3A_45 = arith.select %lt3A_40, %min3A_38, %sub3A_44 : vector<16xi1>, vector<16xi32>
    %gather3A = tpu.vector_load_idx %arg8[%select_n3A_45] : memref<8192xi32, #tpu.memory_space<vmem>>[vector<16xi32>], vector<16xi32>,
    %mul3A = arith.constant 4096 : i32
    %mul3A_46 = arith.muli %select_n3A_7, %mul3A : i32
    %add3A_47 = vector.broadcast %mul3A_46 : i32 to vector<16xi32>
    %add3A_48 = arith.addi %gather3A, %add3A_47 : vector<16xi32>
    %swap3A = arith.constant 0 : i32
    %swap3A_49 = arith.constant 0 : i32
    %swap3A_50 = arith.index_cast %swap3A : i32 to index
    %swap3A_51 = arith.index_cast %swap3A_49 : i32 to index
    %swap3A_52 = arith.constant 0 : index
    %swap3A_53 = tpu.vector_load %arg9[%swap3A_50, %swap3A_51, %swap3A_52] {strides = array<i32>} : memref<26x1x16xi32, #tpu.memory_space<vmem>>, vector<16xi32>,
    tpu.vector_store %arg9[%swap3A_50, %swap3A_51, %swap3A_52], %add3A_48 {strides = array<i32>} : memref<26x1x16xi32, #tpu.memory_space<vmem>>, vector<16xi32>,
    %add3A_54 = arith.constant 16 : i32
    %add3A_55 = vector.broadcast %add3A_54 : i32 to vector<16xi32>
    %add3A_56 = arith.addi %add3A_55, %iota3A : vector<16xi32>
    %min3A_57 = arith.constant 408 : i32
    %min3A_58 = vector.broadcast %min3A_57 : i32 to vector<16xi32>
    %min3A_59 = arith.minsi %add3A_56, %min3A_58 : vector<16xi32>
    %lt3A_60 = vector.broadcast %reduce_sum3A_26 : i32 to vector<16xi32>
    %lt3A_61 = arith.cmpi slt, %min3A_59, %lt3A_60 : vector<16xi32>
    %add3A_62 = arith.constant 4096 : i32
    %add3A_63 = vector.broadcast %add3A_62 : i32 to vector<16xi32>
    %add3A_64 = arith.addi %add3A_63, %min3A_59 : vector<16xi32>
    %sub3A_65 = vector.broadcast %reduce_sum3A_26 : i32 to vector<16xi32>
    %sub3A_66 = arith.subi %add3A_64, %sub3A_65 : vector<16xi32>
    %select_n3A_67 = arith.select %lt3A_61, %min3A_59, %sub3A_66 : vector<16xi1>, vector<16xi32>
    %gather3A_68 = tpu.vector_load_idx %arg8[%select_n3A_67] : memref<8192xi32, #tpu.memory_space<vmem>>[vector<16xi32>], vector<16xi32>,
    %mul3A_69 = arith.constant 4096 : i32
    %mul3A_70 = arith.muli %select_n3A_7, %mul3A_69 : i32
    %add3A_71 = vector.broadcast %mul3A_70 : i32 to vector<16xi32>
    %add3A_72 = arith.addi %gather3A_68, %add3A_71 : vector<16xi32>
    %swap3A_73 = arith.constant 1 : i32
    %swap3A_74 = arith.constant 0 : i32
    %swap3A_75 = arith.index_cast %swap3A_73 : i32 to index
    %swap3A_76 = arith.index_cast %swap3A_74 : i32 to index
    %swap3A_77 = arith.constant 0 : index
    %swap3A_78 = tpu.vector_load %arg9[%swap3A_75, %swap3A_76, %swap3A_77] {strides = array<i32>} : memref<26x1x16xi32, #tpu.memory_space<vmem>>, vector<16xi32>,
    tpu.vector_store %arg9[%swap3A_75, %swap3A_76, %swap3A_77], %add3A_72 {strides = array<i32>} : memref<26x1x16xi32, #tpu.memory_space<vmem>>, vector<16xi32>,
    %add3A_79 = arith.constant 32 : i32
    %add3A_80 = vector.broadcast %add3A_79 : i32 to vector<16xi32>
    %add3A_81 = arith.addi %add3A_80, %iota3A : vector<16xi32>
    %min3A_82 = arith.constant 408 : i32
    %min3A_83 = vector.broadcast %min3A_82 : i32 to vector<16xi32>
    %min3A_84 = arith.minsi %add3A_81, %min3A_83 : vector<16xi32>
    %lt3A_85 = vector.broadcast %reduce_sum3A_26 : i32 to vector<16xi32>
    %lt3A_86 = arith.cmpi slt, %min3A_84, %lt3A_85 : vector<16xi32>
    %add3A_87 = arith.constant 4096 : i32
    %add3A_88 = vector.broadcast %add3A_87 : i32 to vector<16xi32>
    %add3A_89 = arith.addi %add3A_88, %min3A_84 : vector<16xi32>
    %sub3A_90 = vector.broadcast %reduce_sum3A_26 : i32 to vector<16xi32>
    %sub3A_91 = arith.subi %add3A_89, %sub3A_90 : vector<16xi32>
    %select_n3A_92 = arith.select %lt3A_86, %min3A_84, %sub3A_91 : vector<16xi1>, vector<16xi32>
    %gather3A_93 = tpu.vector_load_idx %arg8[%select_n3A_92] : memref<8192xi32, #tpu.memory_space<vmem>>[vector<16xi32>], vector<16xi32>,
    %mul3A_94 = arith.constant 4096 : i32
    %mul3A_95 = arith.muli %select_n3A_7, %mul3A_94 : i32
    %add3A_96 = vector.broadcast %mul3A_95 : i32 to vector<16xi32>
    %add3A_97 = arith.addi %gather3A_93, %add3A_96 : vector<16xi32>
    %swap3A_98 = arith.constant 2 : i32
    %swap3A_99 = arith.constant 0 : i32
    %swap3A_100 = arith.index_cast %swap3A_98 : i32 to index
    %swap3A_101 = arith.index_cast %swap3A_99 : i32 to index
    %swap3A_102 = arith.constant 0 : index
    %swap3A_103 = tpu.vector_load %arg9[%swap3A_100, %swap3A_101, %swap3A_102] {strides = array<i32>} : memref<26x1x16xi32, #tpu.memory_space<vmem>>, vector<16xi32>,
    tpu.vector_store %arg9[%swap3A_100, %swap3A_101, %swap3A_102], %add3A_97 {strides = array<i32>} : memref<26x1x16xi32, #tpu.memory_space<vmem>>, vector<16xi32>,
    %add3A_104 = arith.constant 48 : i32
    %add3A_105 = vector.broadcast %add3A_104 : i32 to vector<16xi32>
    %add3A_106 = arith.addi %add3A_105, %iota3A : vector<16xi32>
    %min3A_107 = arith.constant 408 : i32
    %min3A_108 = vector.broadcast %min3A_107 : i32 to vector<16xi32>
    %min3A_109 = arith.minsi %add3A_106, %min3A_108 : vector<16xi32>
    %lt3A_110 = vector.broadcast %reduce_sum3A_26 : i32 to vector<16xi32>
    %lt3A_111 = arith.cmpi slt, %min3A_109, %lt3A_110 : vector<16xi32>
    %add3A_112 = arith.constant 4096 : i32
    %add3A_113 = vector.broadcast %add3A_112 : i32 to vector<16xi32>
    %add3A_114 = arith.addi %add3A_113, %min3A_109 : vector<16xi32>
    %sub3A_115 = vector.broadcast %reduce_sum3A_26 : i32 to vector<16xi32>
    %sub3A_116 = arith.subi %add3A_114, %sub3A_115 : vector<16xi32>
    %select_n3A_117 = arith.select %lt3A_111, %min3A_109, %sub3A_116 : vector<16xi1>, vector<16xi32>
    %gather3A_118 = tpu.vector_load_idx %arg8[%select_n3A_117] : memref<8192xi32, #tpu.memory_space<vmem>>[vector<16xi32>], vector<16xi32>,
    %mul3A_119 = arith.constant 4096 : i32
    %mul3A_120 = arith.muli %select_n3A_7, %mul3A_119 : i32
    %add3A_121 = vector.broadcast %mul3A_120 : i32 to vector<16xi32>
    %add3A_122 = arith.addi %gather3A_118, %add3A_121 : vector<16xi32>
    %swap3A_123 = arith.constant 3 : i32
    %swap3A_124 = arith.constant 0 : i32
    %swap3A_125 = arith.index_cast %swap3A_123 : i32 to index
    %swap3A_126 = arith.index_cast %swap3A_124 : i32 to index
    %swap3A_127 = arith.constant 0 : index
    %swap3A_128 = tpu.vector_load %arg9[%swap3A_125, %swap3A_126, %swap3A_127] {strides = array<i32>} : memref<26x1x16xi32, #tpu.memory_space<vmem>>, vector<16xi32>,
    tpu.vector_store %arg9[%swap3A_125, %swap3A_126, %swap3A_127], %add3A_122 {strides = array<i32>} : memref<26x1x16xi32, #tpu.memory_space<vmem>>, vector<16xi32>,
    %add3A_129 = arith.constant 64 : i32
    %add3A_130 = vector.broadcast %add3A_129 : i32 to vector<16xi32>
    %add3A_131 = arith.addi %add3A_130, %iota3A : vector<16xi32>
    %min3A_132 = arith.constant 408 : i32
    %min3A_133 = vector.broadcast %min3A_132 : i32 to vector<16xi32>
    %min3A_134 = arith.minsi %add3A_131, %min3A_133 : vector<16xi32>
    %lt3A_135 = vector.broadcast %reduce_sum3A_26 : i32 to vector<16xi32>
    %lt3A_136 = arith.cmpi slt, %min3A_134, %lt3A_135 : vector<16xi32>
    %add3A_137 = arith.constant 4096 : i32
    %add3A_138 = vector.broadcast %add3A_137 : i32 to vector<16xi32>
    %add3A_139 = arith.addi %add3A_138, %min3A_134 : vector<16xi32>
    %sub3A_140 = vector.broadcast %reduce_sum3A_26 : i32 to vector<16xi32>
    %sub3A_141 = arith.subi %add3A_139, %sub3A_140 : vector<16xi32>
    %select_n3A_142 = arith.select %lt3A_136, %min3A_134, %sub3A_141 : vector<16xi1>, vector<16xi32>
    %gather3A_143 = tpu.vector_load_idx %arg8[%select_n3A_142] : memref<8192xi32, #tpu.memory_space<vmem>>[vector<16xi32>], vector<16xi32>,
    %mul3A_144 = arith.constant 4096 : i32
    %mul3A_145 = arith.muli %select_n3A_7, %mul3A_144 : i32
    %add3A_146 = vector.broadcast %mul3A_145 : i32 to vector<16xi32>
    %add3A_147 = arith.addi %gather3A_143, %add3A_146 : vector<16xi32>
    %swap3A_148 = arith.constant 4 : i32
    %swap3A_149 = arith.constant 0 : i32
    %swap3A_150 = arith.index_cast %swap3A_148 : i32 to index
    %swap3A_151 = arith.index_cast %swap3A_149 : i32 to index
    %swap3A_152 = arith.constant 0 : index
    %swap3A_153 = tpu.vector_load %arg9[%swap3A_150, %swap3A_151, %swap3A_152] {strides = array<i32>} : memref<26x1x16xi32, #tpu.memory_space<vmem>>, vector<16xi32>,
    tpu.vector_store %arg9[%swap3A_150, %swap3A_151, %swap3A_152], %add3A_147 {strides = array<i32>} : memref<26x1x16xi32, #tpu.memory_space<vmem>>, vector<16xi32>,
    %add3A_154 = arith.constant 80 : i32
    %add3A_155 = vector.broadcast %add3A_154 : i32 to vector<16xi32>
    %add3A_156 = arith.addi %add3A_155, %iota3A : vector<16xi32>
    %min3A_157 = arith.constant 408 : i32
    %min3A_158 = vector.broadcast %min3A_157 : i32 to vector<16xi32>
    %min3A_159 = arith.minsi %add3A_156, %min3A_158 : vector<16xi32>
    %lt3A_160 = vector.broadcast %reduce_sum3A_26 : i32 to vector<16xi32>
    %lt3A_161 = arith.cmpi slt, %min3A_159, %lt3A_160 : vector<16xi32>
    %add3A_162 = arith.constant 4096 : i32
    %add3A_163 = vector.broadcast %add3A_162 : i32 to vector<16xi32>
    %add3A_164 = arith.addi %add3A_163, %min3A_159 : vector<16xi32>
    %sub3A_165 = vector.broadcast %reduce_sum3A_26 : i32 to vector<16xi32>
    %sub3A_166 = arith.subi %add3A_164, %sub3A_165 : vector<16xi32>
    %select_n3A_167 = arith.select %lt3A_161, %min3A_159, %sub3A_166 : vector<16xi1>, vector<16xi32>
    %gather3A_168 = tpu.vector_load_idx %arg8[%select_n3A_167] : memref<8192xi32, #tpu.memory_space<vmem>>[vector<16xi32>], vector<16xi32>,
    %mul3A_169 = arith.constant 4096 : i32
    %mul3A_170 = arith.muli %select_n3A_7, %mul3A_169 : i32
    %add3A_171 = vector.broadcast %mul3A_170 : i32 to vector<16xi32>
    %add3A_172 = arith.addi %gather3A_168, %add3A_171 : vector<16xi32>
    %swap3A_173 = arith.constant 5 : i32
    %swap3A_174 = arith.constant 0 : i32
    %swap3A_175 = arith.index_cast %swap3A_173 : i32 to index
    %swap3A_176 = arith.index_cast %swap3A_174 : i32 to index
    %swap3A_177 = arith.constant 0 : index
    %swap3A_178 = tpu.vector_load %arg9[%swap3A_175, %swap3A_176, %swap3A_177] {strides = array<i32>} : memref<26x1x16xi32, #tpu.memory_space<vmem>>, vector<16xi32>,
    tpu.vector_store %arg9[%swap3A_175, %swap3A_176, %swap3A_177], %add3A_172 {strides = array<i32>} : memref<26x1x16xi32, #tpu.memory_space<vmem>>, vector<16xi32>,
    %add3A_179 = arith.constant 96 : i32
    %add3A_180 = vector.broadcast %add3A_179 : i32 to vector<16xi32>
    %add3A_181 = arith.addi %add3A_180, %iota3A : vector<16xi32>
    %min3A_182 = arith.constant 408 : i32
    %min3A_183 = vector.broadcast %min3A_182 : i32 to vector<16xi32>
    %min3A_184 = arith.minsi %add3A_181, %min3A_183 : vector<16xi32>
    %lt3A_185 = vector.broadcast %reduce_sum3A_26 : i32 to vector<16xi32>
    %lt3A_186 = arith.cmpi slt, %min3A_184, %lt3A_185 : vector<16xi32>
    %add3A_187 = arith.constant 4096 : i32
    %add3A_188 = vector.broadcast %add3A_187 : i32 to vector<16xi32>
    %add3A_189 = arith.addi %add3A_188, %min3A_184 : vector<16xi32>
    %sub3A_190 = vector.broadcast %reduce_sum3A_26 : i32 to vector<16xi32>
    %sub3A_191 = arith.subi %add3A_189, %sub3A_190 : vector<16xi32>
    %select_n3A_192 = arith.select %lt3A_186, %min3A_184, %sub3A_191 : vector<16xi1>, vector<16xi32>
    %gather3A_193 = tpu.vector_load_idx %arg8[%select_n3A_192] : memref<8192xi32, #tpu.memory_space<vmem>>[vector<16xi32>], vector<16xi32>,
    %mul3A_194 = arith.constant 4096 : i32
    %mul3A_195 = arith.muli %select_n3A_7, %mul3A_194 : i32
    %add3A_196 = vector.broadcast %mul3A_195 : i32 to vector<16xi32>
    %add3A_197 = arith.addi %gather3A_193, %add3A_196 : vector<16xi32>
    %swap3A_198 = arith.constant 6 : i32
    %swap3A_199 = arith.constant 0 : i32
    %swap3A_200 = arith.index_cast %swap3A_198 : i32 to index
    %swap3A_201 = arith.index_cast %swap3A_199 : i32 to index
    %swap3A_202 = arith.constant 0 : index
    %swap3A_203 = tpu.vector_load %arg9[%swap3A_200, %swap3A_201, %swap3A_202] {strides = array<i32>} : memref<26x1x16xi32, #tpu.memory_space<vmem>>, vector<16xi32>,
    tpu.vector_store %arg9[%swap3A_200, %swap3A_201, %swap3A_202], %add3A_197 {strides = array<i32>} : memref<26x1x16xi32, #tpu.memory_space<vmem>>, vector<16xi32>,
    %add3A_204 = arith.constant 112 : i32
    %add3A_205 = vector.broadcast %add3A_204 : i32 to vector<16xi32>
    %add3A_206 = arith.addi %add3A_205, %iota3A : vector<16xi32>
    %min3A_207 = arith.constant 408 : i32
    %min3A_208 = vector.broadcast %min3A_207 : i32 to vector<16xi32>
    %min3A_209 = arith.minsi %add3A_206, %min3A_208 : vector<16xi32>
    %lt3A_210 = vector.broadcast %reduce_sum3A_26 : i32 to vector<16xi32>
    %lt3A_211 = arith.cmpi slt, %min3A_209, %lt3A_210 : vector<16xi32>
    %add3A_212 = arith.constant 4096 : i32
    %add3A_213 = vector.broadcast %add3A_212 : i32 to vector<16xi32>
    %add3A_214 = arith.addi %add3A_213, %min3A_209 : vector<16xi32>
    %sub3A_215 = vector.broadcast %reduce_sum3A_26 : i32 to vector<16xi32>
    %sub3A_216 = arith.subi %add3A_214, %sub3A_215 : vector<16xi32>
    %select_n3A_217 = arith.select %lt3A_211, %min3A_209, %sub3A_216 : vector<16xi1>, vector<16xi32>
    %gather3A_218 = tpu.vector_load_idx %arg8[%select_n3A_217] : memref<8192xi32, #tpu.memory_space<vmem>>[vector<16xi32>], vector<16xi32>,
    %mul3A_219 = arith.constant 4096 : i32
    %mul3A_220 = arith.muli %select_n3A_7, %mul3A_219 : i32
    %add3A_221 = vector.broadcast %mul3A_220 : i32 to vector<16xi32>
    %add3A_222 = arith.addi %gather3A_218, %add3A_221 : vector<16xi32>
    %swap3A_223 = arith.constant 7 : i32
    %swap3A_224 = arith.constant 0 : i32
    %swap3A_225 = arith.index_cast %swap3A_223 : i32 to index
    %swap3A_226 = arith.index_cast %swap3A_224 : i32 to index
    %swap3A_227 = arith.constant 0 : index
    %swap3A_228 = tpu.vector_load %arg9[%swap3A_225, %swap3A_226, %swap3A_227] {strides = array<i32>} : memref<26x1x16xi32, #tpu.memory_space<vmem>>, vector<16xi32>,
    tpu.vector_store %arg9[%swap3A_225, %swap3A_226, %swap3A_227], %add3A_222 {strides = array<i32>} : memref<26x1x16xi32, #tpu.memory_space<vmem>>, vector<16xi32>,
    %add3A_229 = arith.constant 128 : i32
    %add3A_230 = vector.broadcast %add3A_229 : i32 to vector<16xi32>
    %add3A_231 = arith.addi %add3A_230, %iota3A : vector<16xi32>
    %min3A_232 = arith.constant 408 : i32
    %min3A_233 = vector.broadcast %min3A_232 : i32 to vector<16xi32>
    %min3A_234 = arith.minsi %add3A_231, %min3A_233 : vector<16xi32>
    %lt3A_235 = vector.broadcast %reduce_sum3A_26 : i32 to vector<16xi32>
    %lt3A_236 = arith.cmpi slt, %min3A_234, %lt3A_235 : vector<16xi32>
    %add3A_237 = arith.constant 4096 : i32
    %add3A_238 = vector.broadcast %add3A_237 : i32 to vector<16xi32>
    %add3A_239 = arith.addi %add3A_238, %min3A_234 : vector<16xi32>
    %sub3A_240 = vector.broadcast %reduce_sum3A_26 : i32 to vector<16xi32>
    %sub3A_241 = arith.subi %add3A_239, %sub3A_240 : vector<16xi32>
    %select_n3A_242 = arith.select %lt3A_236, %min3A_234, %sub3A_241 : vector<16xi1>, vector<16xi32>
    %gather3A_243 = tpu.vector_load_idx %arg8[%select_n3A_242] : memref<8192xi32, #tpu.memory_space<vmem>>[vector<16xi32>], vector<16xi32>,
    %mul3A_244 = arith.constant 4096 : i32
    %mul3A_245 = arith.muli %select_n3A_7, %mul3A_244 : i32
    %add3A_246 = vector.broadcast %mul3A_245 : i32 to vector<16xi32>
    %add3A_247 = arith.addi %gather3A_243, %add3A_246 : vector<16xi32>
    %swap3A_248 = arith.constant 8 : i32
    %swap3A_249 = arith.constant 0 : i32
    %swap3A_250 = arith.index_cast %swap3A_248 : i32 to index
    %swap3A_251 = arith.index_cast %swap3A_249 : i32 to index
    %swap3A_252 = arith.constant 0 : index
    %swap3A_253 = tpu.vector_load %arg9[%swap3A_250, %swap3A_251, %swap3A_252] {strides = array<i32>} : memref<26x1x16xi32, #tpu.memory_space<vmem>>, vector<16xi32>,
    tpu.vector_store %arg9[%swap3A_250, %swap3A_251, %swap3A_252], %add3A_247 {strides = array<i32>} : memref<26x1x16xi32, #tpu.memory_space<vmem>>, vector<16xi32>,
    %add3A_254 = arith.constant 144 : i32
    %add3A_255 = vector.broadcast %add3A_254 : i32 to vector<16xi32>
    %add3A_256 = arith.addi %add3A_255, %iota3A : vector<16xi32>
    %min3A_257 = arith.constant 408 : i32
    %min3A_258 = vector.broadcast %min3A_257 : i32 to vector<16xi32>
    %min3A_259 = arith.minsi %add3A_256, %min3A_258 : vector<16xi32>
    %lt3A_260 = vector.broadcast %reduce_sum3A_26 : i32 to vector<16xi32>
    %lt3A_261 = arith.cmpi slt, %min3A_259, %lt3A_260 : vector<16xi32>
    %add3A_262 = arith.constant 4096 : i32
    %add3A_263 = vector.broadcast %add3A_262 : i32 to vector<16xi32>
    %add3A_264 = arith.addi %add3A_263, %min3A_259 : vector<16xi32>
    %sub3A_265 = vector.broadcast %reduce_sum3A_26 : i32 to vector<16xi32>
    %sub3A_266 = arith.subi %add3A_264, %sub3A_265 : vector<16xi32>
    %select_n3A_267 = arith.select %lt3A_261, %min3A_259, %sub3A_266 : vector<16xi1>, vector<16xi32>
    %gather3A_268 = tpu.vector_load_idx %arg8[%select_n3A_267] : memref<8192xi32, #tpu.memory_space<vmem>>[vector<16xi32>], vector<16xi32>,
    %mul3A_269 = arith.constant 4096 : i32
    %mul3A_270 = arith.muli %select_n3A_7, %mul3A_269 : i32
    %add3A_271 = vector.broadcast %mul3A_270 : i32 to vector<16xi32>
    %add3A_272 = arith.addi %gather3A_268, %add3A_271 : vector<16xi32>
    %swap3A_273 = arith.constant 9 : i32
    %swap3A_274 = arith.constant 0 : i32
    %swap3A_275 = arith.index_cast %swap3A_273 : i32 to index
    %swap3A_276 = arith.index_cast %swap3A_274 : i32 to index
    %swap3A_277 = arith.constant 0 : index
    %swap3A_278 = tpu.vector_load %arg9[%swap3A_275, %swap3A_276, %swap3A_277] {strides = array<i32>} : memref<26x1x16xi32, #tpu.memory_space<vmem>>, vector<16xi32>,
    tpu.vector_store %arg9[%swap3A_275, %swap3A_276, %swap3A_277], %add3A_272 {strides = array<i32>} : memref<26x1x16xi32, #tpu.memory_space<vmem>>, vector<16xi32>,
    %add3A_279 = arith.constant 160 : i32
    %add3A_280 = vector.broadcast %add3A_279 : i32 to vector<16xi32>
    %add3A_281 = arith.addi %add3A_280, %iota3A : vector<16xi32>
    %min3A_282 = arith.constant 408 : i32
    %min3A_283 = vector.broadcast %min3A_282 : i32 to vector<16xi32>
    %min3A_284 = arith.minsi %add3A_281, %min3A_283 : vector<16xi32>
    %lt3A_285 = vector.broadcast %reduce_sum3A_26 : i32 to vector<16xi32>
    %lt3A_286 = arith.cmpi slt, %min3A_284, %lt3A_285 : vector<16xi32>
    %add3A_287 = arith.constant 4096 : i32
    %add3A_288 = vector.broadcast %add3A_287 : i32 to vector<16xi32>
    %add3A_289 = arith.addi %add3A_288, %min3A_284 : vector<16xi32>
    %sub3A_290 = vector.broadcast %reduce_sum3A_26 : i32 to vector<16xi32>
    %sub3A_291 = arith.subi %add3A_289, %sub3A_290 : vector<16xi32>
    %select_n3A_292 = arith.select %lt3A_286, %min3A_284, %sub3A_291 : vector<16xi1>, vector<16xi32>
    %gather3A_293 = tpu.vector_load_idx %arg8[%select_n3A_292] : memref<8192xi32, #tpu.memory_space<vmem>>[vector<16xi32>], vector<16xi32>,
    %mul3A_294 = arith.constant 4096 : i32
    %mul3A_295 = arith.muli %select_n3A_7, %mul3A_294 : i32
    %add3A_296 = vector.broadcast %mul3A_295 : i32 to vector<16xi32>
    %add3A_297 = arith.addi %gather3A_293, %add3A_296 : vector<16xi32>
    %swap3A_298 = arith.constant 10 : i32
    %swap3A_299 = arith.constant 0 : i32
    %swap3A_300 = arith.index_cast %swap3A_298 : i32 to index
    %swap3A_301 = arith.index_cast %swap3A_299 : i32 to index
    %swap3A_302 = arith.constant 0 : index
    %swap3A_303 = tpu.vector_load %arg9[%swap3A_300, %swap3A_301, %swap3A_302] {strides = array<i32>} : memref<26x1x16xi32, #tpu.memory_space<vmem>>, vector<16xi32>,
    tpu.vector_store %arg9[%swap3A_300, %swap3A_301, %swap3A_302], %add3A_297 {strides = array<i32>} : memref<26x1x16xi32, #tpu.memory_space<vmem>>, vector<16xi32>,
    %add3A_304 = arith.constant 176 : i32
    %add3A_305 = vector.broadcast %add3A_304 : i32 to vector<16xi32>
    %add3A_306 = arith.addi %add3A_305, %iota3A : vector<16xi32>
    %min3A_307 = arith.constant 408 : i32
    %min3A_308 = vector.broadcast %min3A_307 : i32 to vector<16xi32>
    %min3A_309 = arith.minsi %add3A_306, %min3A_308 : vector<16xi32>
    %lt3A_310 = vector.broadcast %reduce_sum3A_26 : i32 to vector<16xi32>
    %lt3A_311 = arith.cmpi slt, %min3A_309, %lt3A_310 : vector<16xi32>
    %add3A_312 = arith.constant 4096 : i32
    %add3A_313 = vector.broadcast %add3A_312 : i32 to vector<16xi32>
    %add3A_314 = arith.addi %add3A_313, %min3A_309 : vector<16xi32>
    %sub3A_315 = vector.broadcast %reduce_sum3A_26 : i32 to vector<16xi32>
    %sub3A_316 = arith.subi %add3A_314, %sub3A_315 : vector<16xi32>
    %select_n3A_317 = arith.select %lt3A_311, %min3A_309, %sub3A_316 : vector<16xi1>, vector<16xi32>
    %gather3A_318 = tpu.vector_load_idx %arg8[%select_n3A_317] : memref<8192xi32, #tpu.memory_space<vmem>>[vector<16xi32>], vector<16xi32>,
    %mul3A_319 = arith.constant 4096 : i32
    %mul3A_320 = arith.muli %select_n3A_7, %mul3A_319 : i32
    %add3A_321 = vector.broadcast %mul3A_320 : i32 to vector<16xi32>
    %add3A_322 = arith.addi %gather3A_318, %add3A_321 : vector<16xi32>
    %swap3A_323 = arith.constant 11 : i32
    %swap3A_324 = arith.constant 0 : i32
    %swap3A_325 = arith.index_cast %swap3A_323 : i32 to index
    %swap3A_326 = arith.index_cast %swap3A_324 : i32 to index
    %swap3A_327 = arith.constant 0 : index
    %swap3A_328 = tpu.vector_load %arg9[%swap3A_325, %swap3A_326, %swap3A_327] {strides = array<i32>} : memref<26x1x16xi32, #tpu.memory_space<vmem>>, vector<16xi32>,
    tpu.vector_store %arg9[%swap3A_325, %swap3A_326, %swap3A_327], %add3A_322 {strides = array<i32>} : memref<26x1x16xi32, #tpu.memory_space<vmem>>, vector<16xi32>,
    %add3A_329 = arith.constant 192 : i32
    %add3A_330 = vector.broadcast %add3A_329 : i32 to vector<16xi32>
    %add3A_331 = arith.addi %add3A_330, %iota3A : vector<16xi32>
    %min3A_332 = arith.constant 408 : i32
    %min3A_333 = vector.broadcast %min3A_332 : i32 to vector<16xi32>
    %min3A_334 = arith.minsi %add3A_331, %min3A_333 : vector<16xi32>
    %lt3A_335 = vector.broadcast %reduce_sum3A_26 : i32 to vector<16xi32>
    %lt3A_336 = arith.cmpi slt, %min3A_334, %lt3A_335 : vector<16xi32>
    %add3A_337 = arith.constant 4096 : i32
    %add3A_338 = vector.broadcast %add3A_337 : i32 to vector<16xi32>
    %add3A_339 = arith.addi %add3A_338, %min3A_334 : vector<16xi32>
    %sub3A_340 = vector.broadcast %reduce_sum3A_26 : i32 to vector<16xi32>
    %sub3A_341 = arith.subi %add3A_339, %sub3A_340 : vector<16xi32>
    %select_n3A_342 = arith.select %lt3A_336, %min3A_334, %sub3A_341 : vector<16xi1>, vector<16xi32>
    %gather3A_343 = tpu.vector_load_idx %arg8[%select_n3A_342] : memref<8192xi32, #tpu.memory_space<vmem>>[vector<16xi32>], vector<16xi32>,
    %mul3A_344 = arith.constant 4096 : i32
    %mul3A_345 = arith.muli %select_n3A_7, %mul3A_344 : i32
    %add3A_346 = vector.broadcast %mul3A_345 : i32 to vector<16xi32>
    %add3A_347 = arith.addi %gather3A_343, %add3A_346 : vector<16xi32>
    %swap3A_348 = arith.constant 12 : i32
    %swap3A_349 = arith.constant 0 : i32
    %swap3A_350 = arith.index_cast %swap3A_348 : i32 to index
    %swap3A_351 = arith.index_cast %swap3A_349 : i32 to index
    %swap3A_352 = arith.constant 0 : index
    %swap3A_353 = tpu.vector_load %arg9[%swap3A_350, %swap3A_351, %swap3A_352] {strides = array<i32>} : memref<26x1x16xi32, #tpu.memory_space<vmem>>, vector<16xi32>,
    tpu.vector_store %arg9[%swap3A_350, %swap3A_351, %swap3A_352], %add3A_347 {strides = array<i32>} : memref<26x1x16xi32, #tpu.memory_space<vmem>>, vector<16xi32>,
    %add3A_354 = arith.constant 208 : i32
    %add3A_355 = vector.broadcast %add3A_354 : i32 to vector<16xi32>
    %add3A_356 = arith.addi %add3A_355, %iota3A : vector<16xi32>
    %min3A_357 = arith.constant 408 : i32
    %min3A_358 = vector.broadcast %min3A_357 : i32 to vector<16xi32>
    %min3A_359 = arith.minsi %add3A_356, %min3A_358 : vector<16xi32>
    %lt3A_360 = vector.broadcast %reduce_sum3A_26 : i32 to vector<16xi32>
    %lt3A_361 = arith.cmpi slt, %min3A_359, %lt3A_360 : vector<16xi32>
    %add3A_362 = arith.constant 4096 : i32
    %add3A_363 = vector.broadcast %add3A_362 : i32 to vector<16xi32>
    %add3A_364 = arith.addi %add3A_363, %min3A_359 : vector<16xi32>
    %sub3A_365 = vector.broadcast %reduce_sum3A_26 : i32 to vector<16xi32>
    %sub3A_366 = arith.subi %add3A_364, %sub3A_365 : vector<16xi32>
    %select_n3A_367 = arith.select %lt3A_361, %min3A_359, %sub3A_366 : vector<16xi1>, vector<16xi32>
    %gather3A_368 = tpu.vector_load_idx %arg8[%select_n3A_367] : memref<8192xi32, #tpu.memory_space<vmem>>[vector<16xi32>], vector<16xi32>,
    %mul3A_369 = arith.constant 4096 : i32
    %mul3A_370 = arith.muli %select_n3A_7, %mul3A_369 : i32
    %add3A_371 = vector.broadcast %mul3A_370 : i32 to vector<16xi32>
    %add3A_372 = arith.addi %gather3A_368, %add3A_371 : vector<16xi32>
    %swap3A_373 = arith.constant 13 : i32
    %swap3A_374 = arith.constant 0 : i32
    %swap3A_375 = arith.index_cast %swap3A_373 : i32 to index
    %swap3A_376 = arith.index_cast %swap3A_374 : i32 to index
    %swap3A_377 = arith.constant 0 : index
    %swap3A_378 = tpu.vector_load %arg9[%swap3A_375, %swap3A_376, %swap3A_377] {strides = array<i32>} : memref<26x1x16xi32, #tpu.memory_space<vmem>>, vector<16xi32>,
    tpu.vector_store %arg9[%swap3A_375, %swap3A_376, %swap3A_377], %add3A_372 {strides = array<i32>} : memref<26x1x16xi32, #tpu.memory_space<vmem>>, vector<16xi32>,
    %add3A_379 = arith.constant 224 : i32
    %add3A_380 = vector.broadcast %add3A_379 : i32 to vector<16xi32>
    %add3A_381 = arith.addi %add3A_380, %iota3A : vector<16xi32>
    %min3A_382 = arith.constant 408 : i32
    %min3A_383 = vector.broadcast %min3A_382 : i32 to vector<16xi32>
    %min3A_384 = arith.minsi %add3A_381, %min3A_383 : vector<16xi32>
    %lt3A_385 = vector.broadcast %reduce_sum3A_26 : i32 to vector<16xi32>
    %lt3A_386 = arith.cmpi slt, %min3A_384, %lt3A_385 : vector<16xi32>
    %add3A_387 = arith.constant 4096 : i32
    %add3A_388 = vector.broadcast %add3A_387 : i32 to vector<16xi32>
    %add3A_389 = arith.addi %add3A_388, %min3A_384 : vector<16xi32>
    %sub3A_390 = vector.broadcast %reduce_sum3A_26 : i32 to vector<16xi32>
    %sub3A_391 = arith.subi %add3A_389, %sub3A_390 : vector<16xi32>
    %select_n3A_392 = arith.select %lt3A_386, %min3A_384, %sub3A_391 : vector<16xi1>, vector<16xi32>
    %gather3A_393 = tpu.vector_load_idx %arg8[%select_n3A_392] : memref<8192xi32, #tpu.memory_space<vmem>>[vector<16xi32>], vector<16xi32>,
    %mul3A_394 = arith.constant 4096 : i32
    %mul3A_395 = arith.muli %select_n3A_7, %mul3A_394 : i32
    %add3A_396 = vector.broadcast %mul3A_395 : i32 to vector<16xi32>
    %add3A_397 = arith.addi %gather3A_393, %add3A_396 : vector<16xi32>
    %swap3A_398 = arith.constant 14 : i32
    %swap3A_399 = arith.constant 0 : i32
    %swap3A_400 = arith.index_cast %swap3A_398 : i32 to index
    %swap3A_401 = arith.index_cast %swap3A_399 : i32 to index
    %swap3A_402 = arith.constant 0 : index
    %swap3A_403 = tpu.vector_load %arg9[%swap3A_400, %swap3A_401, %swap3A_402] {strides = array<i32>} : memref<26x1x16xi32, #tpu.memory_space<vmem>>, vector<16xi32>,
    tpu.vector_store %arg9[%swap3A_400, %swap3A_401, %swap3A_402], %add3A_397 {strides = array<i32>} : memref<26x1x16xi32, #tpu.memory_space<vmem>>, vector<16xi32>,
    %add3A_404 = arith.constant 240 : i32
    %add3A_405 = vector.broadcast %add3A_404 : i32 to vector<16xi32>
    %add3A_406 = arith.addi %add3A_405, %iota3A : vector<16xi32>
    %min3A_407 = arith.constant 408 : i32
    %min3A_408 = vector.broadcast %min3A_407 : i32 to vector<16xi32>
    %min3A_409 = arith.minsi %add3A_406, %min3A_408 : vector<16xi32>
    %lt3A_410 = vector.broadcast %reduce_sum3A_26 : i32 to vector<16xi32>
    %lt3A_411 = arith.cmpi slt, %min3A_409, %lt3A_410 : vector<16xi32>
    %add3A_412 = arith.constant 4096 : i32
    %add3A_413 = vector.broadcast %add3A_412 : i32 to vector<16xi32>
    %add3A_414 = arith.addi %add3A_413, %min3A_409 : vector<16xi32>
    %sub3A_415 = vector.broadcast %reduce_sum3A_26 : i32 to vector<16xi32>
    %sub3A_416 = arith.subi %add3A_414, %sub3A_415 : vector<16xi32>
    %select_n3A_417 = arith.select %lt3A_411, %min3A_409, %sub3A_416 : vector<16xi1>, vector<16xi32>
    %gather3A_418 = tpu.vector_load_idx %arg8[%select_n3A_417] : memref<8192xi32, #tpu.memory_space<vmem>>[vector<16xi32>], vector<16xi32>,
    %mul3A_419 = arith.constant 4096 : i32
    %mul3A_420 = arith.muli %select_n3A_7, %mul3A_419 : i32
    %add3A_421 = vector.broadcast %mul3A_420 : i32 to vector<16xi32>
    %add3A_422 = arith.addi %gather3A_418, %add3A_421 : vector<16xi32>
    %swap3A_423 = arith.constant 15 : i32
    %swap3A_424 = arith.constant 0 : i32
    %swap3A_425 = arith.index_cast %swap3A_423 : i32 to index
    %swap3A_426 = arith.index_cast %swap3A_424 : i32 to index
    %swap3A_427 = arith.constant 0 : index
    %swap3A_428 = tpu.vector_load %arg9[%swap3A_425, %swap3A_426, %swap3A_427] {strides = array<i32>} : memref<26x1x16xi32, #tpu.memory_space<vmem>>, vector<16xi32>,
    tpu.vector_store %arg9[%swap3A_425, %swap3A_426, %swap3A_427], %add3A_422 {strides = array<i32>} : memref<26x1x16xi32, #tpu.memory_space<vmem>>, vector<16xi32>,
    %add3A_429 = arith.constant 256 : i32
    %add3A_430 = vector.broadcast %add3A_429 : i32 to vector<16xi32>
    %add3A_431 = arith.addi %add3A_430, %iota3A : vector<16xi32>
    %min3A_432 = arith.constant 408 : i32
    %min3A_433 = vector.broadcast %min3A_432 : i32 to vector<16xi32>
    %min3A_434 = arith.minsi %add3A_431, %min3A_433 : vector<16xi32>
    %lt3A_435 = vector.broadcast %reduce_sum3A_26 : i32 to vector<16xi32>
    %lt3A_436 = arith.cmpi slt, %min3A_434, %lt3A_435 : vector<16xi32>
    %add3A_437 = arith.constant 4096 : i32
    %add3A_438 = vector.broadcast %add3A_437 : i32 to vector<16xi32>
    %add3A_439 = arith.addi %add3A_438, %min3A_434 : vector<16xi32>
    %sub3A_440 = vector.broadcast %reduce_sum3A_26 : i32 to vector<16xi32>
    %sub3A_441 = arith.subi %add3A_439, %sub3A_440 : vector<16xi32>
    %select_n3A_442 = arith.select %lt3A_436, %min3A_434, %sub3A_441 : vector<16xi1>, vector<16xi32>
    %gather3A_443 = tpu.vector_load_idx %arg8[%select_n3A_442] : memref<8192xi32, #tpu.memory_space<vmem>>[vector<16xi32>], vector<16xi32>,
    %mul3A_444 = arith.constant 4096 : i32
    %mul3A_445 = arith.muli %select_n3A_7, %mul3A_444 : i32
    %add3A_446 = vector.broadcast %mul3A_445 : i32 to vector<16xi32>
    %add3A_447 = arith.addi %gather3A_443, %add3A_446 : vector<16xi32>
    %swap3A_448 = arith.constant 16 : i32
    %swap3A_449 = arith.constant 0 : i32
    %swap3A_450 = arith.index_cast %swap3A_448 : i32 to index
    %swap3A_451 = arith.index_cast %swap3A_449 : i32 to index
    %swap3A_452 = arith.constant 0 : index
    %swap3A_453 = tpu.vector_load %arg9[%swap3A_450, %swap3A_451, %swap3A_452] {strides = array<i32>} : memref<26x1x16xi32, #tpu.memory_space<vmem>>, vector<16xi32>,
    tpu.vector_store %arg9[%swap3A_450, %swap3A_451, %swap3A_452], %add3A_447 {strides = array<i32>} : memref<26x1x16xi32, #tpu.memory_space<vmem>>, vector<16xi32>,
    %add3A_454 = arith.constant 272 : i32
    %add3A_455 = vector.broadcast %add3A_454 : i32 to vector<16xi32>
    %add3A_456 = arith.addi %add3A_455, %iota3A : vector<16xi32>
    %min3A_457 = arith.constant 408 : i32
    %min3A_458 = vector.broadcast %min3A_457 : i32 to vector<16xi32>
    %min3A_459 = arith.minsi %add3A_456, %min3A_458 : vector<16xi32>
    %lt3A_460 = vector.broadcast %reduce_sum3A_26 : i32 to vector<16xi32>
    %lt3A_461 = arith.cmpi slt, %min3A_459, %lt3A_460 : vector<16xi32>
    %add3A_462 = arith.constant 4096 : i32
    %add3A_463 = vector.broadcast %add3A_462 : i32 to vector<16xi32>
    %add3A_464 = arith.addi %add3A_463, %min3A_459 : vector<16xi32>
    %sub3A_465 = vector.broadcast %reduce_sum3A_26 : i32 to vector<16xi32>
    %sub3A_466 = arith.subi %add3A_464, %sub3A_465 : vector<16xi32>
    %select_n3A_467 = arith.select %lt3A_461, %min3A_459, %sub3A_466 : vector<16xi1>, vector<16xi32>
    %gather3A_468 = tpu.vector_load_idx %arg8[%select_n3A_467] : memref<8192xi32, #tpu.memory_space<vmem>>[vector<16xi32>], vector<16xi32>,
    %mul3A_469 = arith.constant 4096 : i32
    %mul3A_470 = arith.muli %select_n3A_7, %mul3A_469 : i32
    %add3A_471 = vector.broadcast %mul3A_470 : i32 to vector<16xi32>
    %add3A_472 = arith.addi %gather3A_468, %add3A_471 : vector<16xi32>
    %swap3A_473 = arith.constant 17 : i32
    %swap3A_474 = arith.constant 0 : i32
    %swap3A_475 = arith.index_cast %swap3A_473 : i32 to index
    %swap3A_476 = arith.index_cast %swap3A_474 : i32 to index
    %swap3A_477 = arith.constant 0 : index
    %swap3A_478 = tpu.vector_load %arg9[%swap3A_475, %swap3A_476, %swap3A_477] {strides = array<i32>} : memref<26x1x16xi32, #tpu.memory_space<vmem>>, vector<16xi32>,
    tpu.vector_store %arg9[%swap3A_475, %swap3A_476, %swap3A_477], %add3A_472 {strides = array<i32>} : memref<26x1x16xi32, #tpu.memory_space<vmem>>, vector<16xi32>,
    %add3A_479 = arith.constant 288 : i32
    %add3A_480 = vector.broadcast %add3A_479 : i32 to vector<16xi32>
    %add3A_481 = arith.addi %add3A_480, %iota3A : vector<16xi32>
    %min3A_482 = arith.constant 408 : i32
    %min3A_483 = vector.broadcast %min3A_482 : i32 to vector<16xi32>
    %min3A_484 = arith.minsi %add3A_481, %min3A_483 : vector<16xi32>
    %lt3A_485 = vector.broadcast %reduce_sum3A_26 : i32 to vector<16xi32>
    %lt3A_486 = arith.cmpi slt, %min3A_484, %lt3A_485 : vector<16xi32>
    %add3A_487 = arith.constant 4096 : i32
    %add3A_488 = vector.broadcast %add3A_487 : i32 to vector<16xi32>
    %add3A_489 = arith.addi %add3A_488, %min3A_484 : vector<16xi32>
    %sub3A_490 = vector.broadcast %reduce_sum3A_26 : i32 to vector<16xi32>
    %sub3A_491 = arith.subi %add3A_489, %sub3A_490 : vector<16xi32>
    %select_n3A_492 = arith.select %lt3A_486, %min3A_484, %sub3A_491 : vector<16xi1>, vector<16xi32>
    %gather3A_493 = tpu.vector_load_idx %arg8[%select_n3A_492] : memref<8192xi32, #tpu.memory_space<vmem>>[vector<16xi32>], vector<16xi32>,
    %mul3A_494 = arith.constant 4096 : i32
    %mul3A_495 = arith.muli %select_n3A_7, %mul3A_494 : i32
    %add3A_496 = vector.broadcast %mul3A_495 : i32 to vector<16xi32>
    %add3A_497 = arith.addi %gather3A_493, %add3A_496 : vector<16xi32>
    %swap3A_498 = arith.constant 18 : i32
    %swap3A_499 = arith.constant 0 : i32
    %swap3A_500 = arith.index_cast %swap3A_498 : i32 to index
    %swap3A_501 = arith.index_cast %swap3A_499 : i32 to index
    %swap3A_502 = arith.constant 0 : index
    %swap3A_503 = tpu.vector_load %arg9[%swap3A_500, %swap3A_501, %swap3A_502] {strides = array<i32>} : memref<26x1x16xi32, #tpu.memory_space<vmem>>, vector<16xi32>,
    tpu.vector_store %arg9[%swap3A_500, %swap3A_501, %swap3A_502], %add3A_497 {strides = array<i32>} : memref<26x1x16xi32, #tpu.memory_space<vmem>>, vector<16xi32>,
    %add3A_504 = arith.constant 304 : i32
    %add3A_505 = vector.broadcast %add3A_504 : i32 to vector<16xi32>
    %add3A_506 = arith.addi %add3A_505, %iota3A : vector<16xi32>
    %min3A_507 = arith.constant 408 : i32
    %min3A_508 = vector.broadcast %min3A_507 : i32 to vector<16xi32>
    %min3A_509 = arith.minsi %add3A_506, %min3A_508 : vector<16xi32>
    %lt3A_510 = vector.broadcast %reduce_sum3A_26 : i32 to vector<16xi32>
    %lt3A_511 = arith.cmpi slt, %min3A_509, %lt3A_510 : vector<16xi32>
    %add3A_512 = arith.constant 4096 : i32
    %add3A_513 = vector.broadcast %add3A_512 : i32 to vector<16xi32>
    %add3A_514 = arith.addi %add3A_513, %min3A_509 : vector<16xi32>
    %sub3A_515 = vector.broadcast %reduce_sum3A_26 : i32 to vector<16xi32>
    %sub3A_516 = arith.subi %add3A_514, %sub3A_515 : vector<16xi32>
    %select_n3A_517 = arith.select %lt3A_511, %min3A_509, %sub3A_516 : vector<16xi1>, vector<16xi32>
    %gather3A_518 = tpu.vector_load_idx %arg8[%select_n3A_517] : memref<8192xi32, #tpu.memory_space<vmem>>[vector<16xi32>], vector<16xi32>,
    %mul3A_519 = arith.constant 4096 : i32
    %mul3A_520 = arith.muli %select_n3A_7, %mul3A_519 : i32
    %add3A_521 = vector.broadcast %mul3A_520 : i32 to vector<16xi32>
    %add3A_522 = arith.addi %gather3A_518, %add3A_521 : vector<16xi32>
    %swap3A_523 = arith.constant 19 : i32
    %swap3A_524 = arith.constant 0 : i32
    %swap3A_525 = arith.index_cast %swap3A_523 : i32 to index
    %swap3A_526 = arith.index_cast %swap3A_524 : i32 to index
    %swap3A_527 = arith.constant 0 : index
    %swap3A_528 = tpu.vector_load %arg9[%swap3A_525, %swap3A_526, %swap3A_527] {strides = array<i32>} : memref<26x1x16xi32, #tpu.memory_space<vmem>>, vector<16xi32>,
    tpu.vector_store %arg9[%swap3A_525, %swap3A_526, %swap3A_527], %add3A_522 {strides = array<i32>} : memref<26x1x16xi32, #tpu.memory_space<vmem>>, vector<16xi32>,
    %add3A_529 = arith.constant 320 : i32
    %add3A_530 = vector.broadcast %add3A_529 : i32 to vector<16xi32>
    %add3A_531 = arith.addi %add3A_530, %iota3A : vector<16xi32>
    %min3A_532 = arith.constant 408 : i32
    %min3A_533 = vector.broadcast %min3A_532 : i32 to vector<16xi32>
    %min3A_534 = arith.minsi %add3A_531, %min3A_533 : vector<16xi32>
    %lt3A_535 = vector.broadcast %reduce_sum3A_26 : i32 to vector<16xi32>
    %lt3A_536 = arith.cmpi slt, %min3A_534, %lt3A_535 : vector<16xi32>
    %add3A_537 = arith.constant 4096 : i32
    %add3A_538 = vector.broadcast %add3A_537 : i32 to vector<16xi32>
    %add3A_539 = arith.addi %add3A_538, %min3A_534 : vector<16xi32>
    %sub3A_540 = vector.broadcast %reduce_sum3A_26 : i32 to vector<16xi32>
    %sub3A_541 = arith.subi %add3A_539, %sub3A_540 : vector<16xi32>
    %select_n3A_542 = arith.select %lt3A_536, %min3A_534, %sub3A_541 : vector<16xi1>, vector<16xi32>
    %gather3A_543 = tpu.vector_load_idx %arg8[%select_n3A_542] : memref<8192xi32, #tpu.memory_space<vmem>>[vector<16xi32>], vector<16xi32>,
    %mul3A_544 = arith.constant 4096 : i32
    %mul3A_545 = arith.muli %select_n3A_7, %mul3A_544 : i32
    %add3A_546 = vector.broadcast %mul3A_545 : i32 to vector<16xi32>
    %add3A_547 = arith.addi %gather3A_543, %add3A_546 : vector<16xi32>
    %swap3A_548 = arith.constant 20 : i32
    %swap3A_549 = arith.constant 0 : i32
    %swap3A_550 = arith.index_cast %swap3A_548 : i32 to index
    %swap3A_551 = arith.index_cast %swap3A_549 : i32 to index
    %swap3A_552 = arith.constant 0 : index
    %swap3A_553 = tpu.vector_load %arg9[%swap3A_550, %swap3A_551, %swap3A_552] {strides = array<i32>} : memref<26x1x16xi32, #tpu.memory_space<vmem>>, vector<16xi32>,
    tpu.vector_store %arg9[%swap3A_550, %swap3A_551, %swap3A_552], %add3A_547 {strides = array<i32>} : memref<26x1x16xi32, #tpu.memory_space<vmem>>, vector<16xi32>,
    %add3A_554 = arith.constant 336 : i32
    %add3A_555 = vector.broadcast %add3A_554 : i32 to vector<16xi32>
    %add3A_556 = arith.addi %add3A_555, %iota3A : vector<16xi32>
    %min3A_557 = arith.constant 408 : i32
    %min3A_558 = vector.broadcast %min3A_557 : i32 to vector<16xi32>
    %min3A_559 = arith.minsi %add3A_556, %min3A_558 : vector<16xi32>
    %lt3A_560 = vector.broadcast %reduce_sum3A_26 : i32 to vector<16xi32>
    %lt3A_561 = arith.cmpi slt, %min3A_559, %lt3A_560 : vector<16xi32>
    %add3A_562 = arith.constant 4096 : i32
    %add3A_563 = vector.broadcast %add3A_562 : i32 to vector<16xi32>
    %add3A_564 = arith.addi %add3A_563, %min3A_559 : vector<16xi32>
    %sub3A_565 = vector.broadcast %reduce_sum3A_26 : i32 to vector<16xi32>
    %sub3A_566 = arith.subi %add3A_564, %sub3A_565 : vector<16xi32>
    %select_n3A_567 = arith.select %lt3A_561, %min3A_559, %sub3A_566 : vector<16xi1>, vector<16xi32>
    %gather3A_568 = tpu.vector_load_idx %arg8[%select_n3A_567] : memref<8192xi32, #tpu.memory_space<vmem>>[vector<16xi32>], vector<16xi32>,
    %mul3A_569 = arith.constant 4096 : i32
    %mul3A_570 = arith.muli %select_n3A_7, %mul3A_569 : i32
    %add3A_571 = vector.broadcast %mul3A_570 : i32 to vector<16xi32>
    %add3A_572 = arith.addi %gather3A_568, %add3A_571 : vector<16xi32>
    %swap3A_573 = arith.constant 21 : i32
    %swap3A_574 = arith.constant 0 : i32
    %swap3A_575 = arith.index_cast %swap3A_573 : i32 to index
    %swap3A_576 = arith.index_cast %swap3A_574 : i32 to index
    %swap3A_577 = arith.constant 0 : index
    %swap3A_578 = tpu.vector_load %arg9[%swap3A_575, %swap3A_576, %swap3A_577] {strides = array<i32>} : memref<26x1x16xi32, #tpu.memory_space<vmem>>, vector<16xi32>,
    tpu.vector_store %arg9[%swap3A_575, %swap3A_576, %swap3A_577], %add3A_572 {strides = array<i32>} : memref<26x1x16xi32, #tpu.memory_space<vmem>>, vector<16xi32>,
    %add3A_579 = arith.constant 352 : i32
    %add3A_580 = vector.broadcast %add3A_579 : i32 to vector<16xi32>
    %add3A_581 = arith.addi %add3A_580, %iota3A : vector<16xi32>
    %min3A_582 = arith.constant 408 : i32
    %min3A_583 = vector.broadcast %min3A_582 : i32 to vector<16xi32>
    %min3A_584 = arith.minsi %add3A_581, %min3A_583 : vector<16xi32>
    %lt3A_585 = vector.broadcast %reduce_sum3A_26 : i32 to vector<16xi32>
    %lt3A_586 = arith.cmpi slt, %min3A_584, %lt3A_585 : vector<16xi32>
    %add3A_587 = arith.constant 4096 : i32
    %add3A_588 = vector.broadcast %add3A_587 : i32 to vector<16xi32>
    %add3A_589 = arith.addi %add3A_588, %min3A_584 : vector<16xi32>
    %sub3A_590 = vector.broadcast %reduce_sum3A_26 : i32 to vector<16xi32>
    %sub3A_591 = arith.subi %add3A_589, %sub3A_590 : vector<16xi32>
    %select_n3A_592 = arith.select %lt3A_586, %min3A_584, %sub3A_591 : vector<16xi1>, vector<16xi32>
    %gather3A_593 = tpu.vector_load_idx %arg8[%select_n3A_592] : memref<8192xi32, #tpu.memory_space<vmem>>[vector<16xi32>], vector<16xi32>,
    %mul3A_594 = arith.constant 4096 : i32
    %mul3A_595 = arith.muli %select_n3A_7, %mul3A_594 : i32
    %add3A_596 = vector.broadcast %mul3A_595 : i32 to vector<16xi32>
    %add3A_597 = arith.addi %gather3A_593, %add3A_596 : vector<16xi32>
    %swap3A_598 = arith.constant 22 : i32
    %swap3A_599 = arith.constant 0 : i32
    %swap3A_600 = arith.index_cast %swap3A_598 : i32 to index
    %swap3A_601 = arith.index_cast %swap3A_599 : i32 to index
    %swap3A_602 = arith.constant 0 : index
    %swap3A_603 = tpu.vector_load %arg9[%swap3A_600, %swap3A_601, %swap3A_602] {strides = array<i32>} : memref<26x1x16xi32, #tpu.memory_space<vmem>>, vector<16xi32>,
    tpu.vector_store %arg9[%swap3A_600, %swap3A_601, %swap3A_602], %add3A_597 {strides = array<i32>} : memref<26x1x16xi32, #tpu.memory_space<vmem>>, vector<16xi32>,
    %add3A_604 = arith.constant 368 : i32
    %add3A_605 = vector.broadcast %add3A_604 : i32 to vector<16xi32>
    %add3A_606 = arith.addi %add3A_605, %iota3A : vector<16xi32>
    %min3A_607 = arith.constant 408 : i32
    %min3A_608 = vector.broadcast %min3A_607 : i32 to vector<16xi32>
    %min3A_609 = arith.minsi %add3A_606, %min3A_608 : vector<16xi32>
    %lt3A_610 = vector.broadcast %reduce_sum3A_26 : i32 to vector<16xi32>
    %lt3A_611 = arith.cmpi slt, %min3A_609, %lt3A_610 : vector<16xi32>
    %add3A_612 = arith.constant 4096 : i32
    %add3A_613 = vector.broadcast %add3A_612 : i32 to vector<16xi32>
    %add3A_614 = arith.addi %add3A_613, %min3A_609 : vector<16xi32>
    %sub3A_615 = vector.broadcast %reduce_sum3A_26 : i32 to vector<16xi32>
    %sub3A_616 = arith.subi %add3A_614, %sub3A_615 : vector<16xi32>
    %select_n3A_617 = arith.select %lt3A_611, %min3A_609, %sub3A_616 : vector<16xi1>, vector<16xi32>
    %gather3A_618 = tpu.vector_load_idx %arg8[%select_n3A_617] : memref<8192xi32, #tpu.memory_space<vmem>>[vector<16xi32>], vector<16xi32>,
    %mul3A_619 = arith.constant 4096 : i32
    %mul3A_620 = arith.muli %select_n3A_7, %mul3A_619 : i32
    %add3A_621 = vector.broadcast %mul3A_620 : i32 to vector<16xi32>
    %add3A_622 = arith.addi %gather3A_618, %add3A_621 : vector<16xi32>
    %swap3A_623 = arith.constant 23 : i32
    %swap3A_624 = arith.constant 0 : i32
    %swap3A_625 = arith.index_cast %swap3A_623 : i32 to index
    %swap3A_626 = arith.index_cast %swap3A_624 : i32 to index
    %swap3A_627 = arith.constant 0 : index
    %swap3A_628 = tpu.vector_load %arg9[%swap3A_625, %swap3A_626, %swap3A_627] {strides = array<i32>} : memref<26x1x16xi32, #tpu.memory_space<vmem>>, vector<16xi32>,
    tpu.vector_store %arg9[%swap3A_625, %swap3A_626, %swap3A_627], %add3A_622 {strides = array<i32>} : memref<26x1x16xi32, #tpu.memory_space<vmem>>, vector<16xi32>,
    %add3A_629 = arith.constant 384 : i32
    %add3A_630 = vector.broadcast %add3A_629 : i32 to vector<16xi32>
    %add3A_631 = arith.addi %add3A_630, %iota3A : vector<16xi32>
    %min3A_632 = arith.constant 408 : i32
    %min3A_633 = vector.broadcast %min3A_632 : i32 to vector<16xi32>
    %min3A_634 = arith.minsi %add3A_631, %min3A_633 : vector<16xi32>
    %lt3A_635 = vector.broadcast %reduce_sum3A_26 : i32 to vector<16xi32>
    %lt3A_636 = arith.cmpi slt, %min3A_634, %lt3A_635 : vector<16xi32>
    %add3A_637 = arith.constant 4096 : i32
    %add3A_638 = vector.broadcast %add3A_637 : i32 to vector<16xi32>
    %add3A_639 = arith.addi %add3A_638, %min3A_634 : vector<16xi32>
    %sub3A_640 = vector.broadcast %reduce_sum3A_26 : i32 to vector<16xi32>
    %sub3A_641 = arith.subi %add3A_639, %sub3A_640 : vector<16xi32>
    %select_n3A_642 = arith.select %lt3A_636, %min3A_634, %sub3A_641 : vector<16xi1>, vector<16xi32>
    %gather3A_643 = tpu.vector_load_idx %arg8[%select_n3A_642] : memref<8192xi32, #tpu.memory_space<vmem>>[vector<16xi32>], vector<16xi32>,
    %mul3A_644 = arith.constant 4096 : i32
    %mul3A_645 = arith.muli %select_n3A_7, %mul3A_644 : i32
    %add3A_646 = vector.broadcast %mul3A_645 : i32 to vector<16xi32>
    %add3A_647 = arith.addi %gather3A_643, %add3A_646 : vector<16xi32>
    %swap3A_648 = arith.constant 24 : i32
    %swap3A_649 = arith.constant 0 : i32
    %swap3A_650 = arith.index_cast %swap3A_648 : i32 to index
    %swap3A_651 = arith.index_cast %swap3A_649 : i32 to index
    %swap3A_652 = arith.constant 0 : index
    %swap3A_653 = tpu.vector_load %arg9[%swap3A_650, %swap3A_651, %swap3A_652] {strides = array<i32>} : memref<26x1x16xi32, #tpu.memory_space<vmem>>, vector<16xi32>,
    tpu.vector_store %arg9[%swap3A_650, %swap3A_651, %swap3A_652], %add3A_647 {strides = array<i32>} : memref<26x1x16xi32, #tpu.memory_space<vmem>>, vector<16xi32>,
    %add3A_654 = arith.constant 400 : i32
    %add3A_655 = vector.broadcast %add3A_654 : i32 to vector<16xi32>
    %add3A_656 = arith.addi %add3A_655, %iota3A : vector<16xi32>
    %min3A_657 = arith.constant 408 : i32
    %min3A_658 = vector.broadcast %min3A_657 : i32 to vector<16xi32>
    %min3A_659 = arith.minsi %add3A_656, %min3A_658 : vector<16xi32>
    %lt3A_660 = vector.broadcast %reduce_sum3A_26 : i32 to vector<16xi32>
    %lt3A_661 = arith.cmpi slt, %min3A_659, %lt3A_660 : vector<16xi32>
    %add3A_662 = arith.constant 4096 : i32
    %add3A_663 = vector.broadcast %add3A_662 : i32 to vector<16xi32>
    %add3A_664 = arith.addi %add3A_663, %min3A_659 : vector<16xi32>
    %sub3A_665 = vector.broadcast %reduce_sum3A_26 : i32 to vector<16xi32>
    %sub3A_666 = arith.subi %add3A_664, %sub3A_665 : vector<16xi32>
    %select_n3A_667 = arith.select %lt3A_661, %min3A_659, %sub3A_666 : vector<16xi1>, vector<16xi32>
    %gather3A_668 = tpu.vector_load_idx %arg8[%select_n3A_667] : memref<8192xi32, #tpu.memory_space<vmem>>[vector<16xi32>], vector<16xi32>,
    %mul3A_669 = arith.constant 4096 : i32
    %mul3A_670 = arith.muli %select_n3A_7, %mul3A_669 : i32
    %add3A_671 = vector.broadcast %mul3A_670 : i32 to vector<16xi32>
    %add3A_672 = arith.addi %gather3A_668, %add3A_671 : vector<16xi32>
    %swap3A_673 = arith.constant 25 : i32
    %swap3A_674 = arith.constant 0 : i32
    %swap3A_675 = arith.index_cast %swap3A_673 : i32 to index
    %swap3A_676 = arith.index_cast %swap3A_674 : i32 to index
    %swap3A_677 = arith.constant 0 : index
    %swap3A_678 = tpu.vector_load %arg9[%swap3A_675, %swap3A_676, %swap3A_677] {strides = array<i32>} : memref<26x1x16xi32, #tpu.memory_space<vmem>>, vector<16xi32>,
    tpu.vector_store %arg9[%swap3A_675, %swap3A_676, %swap3A_677], %add3A_672 {strides = array<i32>} : memref<26x1x16xi32, #tpu.memory_space<vmem>>, vector<16xi32>,
    %eq3A_679 = arith.constant 0 : i32
    %eq3A_680 = arith.cmpi eq, %arg0, %eq3A_679 : i32
    %lt3A_681 = arith.constant 2 : i32
    %lt3A_682 = arith.cmpi slt, %arg1, %lt3A_681 : i32
    %and3A_683 = arith.andi %eq3A_680, %lt3A_682 : i1
    %convert_element_type3A = arith.extui %and3A_683 : i1 to i32
    %cond3A = arith.constant 0 : i32
    %cond3A_684 = arith.cmpi ne, %convert_element_type3A, %cond3A : i32
    scf.if %cond3A_684 {
      %mul3A_722 = arith.constant 26 : i32
      %mul3A_723 = arith.muli %arg1, %mul3A_722 : i32
      "tpu.region"() ({
        %run_scoped3A_724 = tpu.sem_alloc : memref<!tpu.dma_semaphore, #tpu.memory_space<semaphore_mem>>
        %dma_start3A = arith.constant 0 : i32
        %dma_start3A_725 = arith.constant 0 : i32
        %dma_start3A_726 = tpu.memref_slice %arg6[%mul3A_723, %dma_start3A, %dma_start3A_725] : memref<52x1x16xi32, #tpu.memory_space<hbm>> -> memref<26x1x16xi32, #tpu.memory_space<hbm>>
        %dma_start3A_727 = arith.constant 0 : i32
        %dma_start3A_728 = arith.constant 0 : i32
        %dma_start3A_729 = tpu.memref_slice %arg6[%mul3A_723, %dma_start3A_727, %dma_start3A_728] : memref<52x1x16xi32, #tpu.memory_space<hbm>> -> memref<26x1x16xi32, #tpu.memory_space<hbm>>
        tpu.enqueue_dma source(%arg9 : memref<26x1x16xi32, #tpu.memory_space<vmem>>) target(%dma_start3A_729 : memref<26x1x16xi32, #tpu.memory_space<hbm>>) target_semaphore(%run_scoped3A_724 : memref<!tpu.dma_semaphore, #tpu.memory_space<semaphore_mem>>)
        %dma_wait3A = arith.constant 0 : i32
        %dma_wait3A_730 = arith.constant 0 : i32
        %dma_wait3A_731 = tpu.memref_slice %arg6[%mul3A_723, %dma_wait3A, %dma_wait3A_730] : memref<52x1x16xi32, #tpu.memory_space<hbm>> -> memref<26x1x16xi32, #tpu.memory_space<hbm>>
        %dma_wait3A_732 = arith.constant 0 : i32
        %dma_wait3A_733 = arith.constant 0 : i32
        %dma_wait3A_734 = tpu.memref_slice %arg6[%mul3A_723, %dma_wait3A_732, %dma_wait3A_733] : memref<52x1x16xi32, #tpu.memory_space<hbm>> -> memref<26x1x16xi32, #tpu.memory_space<hbm>>
        tpu.wait_dma2 semaphore(%run_scoped3A_724 : memref<!tpu.dma_semaphore, #tpu.memory_space<semaphore_mem>>) src(%arg9 : memref<26x1x16xi32, #tpu.memory_space<vmem>>) dst(%dma_wait3A_734 : memref<26x1x16xi32, #tpu.memory_space<hbm>>)
        tpu.yield
      }) : () -> ()
    } else {
    }
    %jit3A_685 = arith.constant 2 : i32
    %div3A = arith.divsi %arg1, %jit3A_685 : i32
    %sign3A = arith.constant 0 : i32
    %sign3A_686 = arith.cmpi sgt, %arg1, %sign3A : i32
    %sign3A_687 = arith.extui %sign3A_686 : i1 to i32
    %sign3A_688 = arith.constant 0 : i32
    %sign3A_689 = arith.cmpi slt, %arg1, %sign3A_688 : i32
    %sign3A_690 = arith.extui %sign3A_689 : i1 to i32
    %sign3A_691 = arith.subi %sign3A_687, %sign3A_690 : i32
    %sign3A_692 = arith.constant 0 : i32
    %sign3A_693 = arith.cmpi sgt, %jit3A_685, %sign3A_692 : i32
    %sign3A_694 = arith.extui %sign3A_693 : i1 to i32
    %sign3A_695 = arith.constant 0 : i32
    %sign3A_696 = arith.cmpi slt, %jit3A_685, %sign3A_695 : i32
    %sign3A_697 = arith.extui %sign3A_696 : i1 to i32
    %sign3A_698 = arith.subi %sign3A_694, %sign3A_697 : i32
    %ne3A_699 = arith.cmpi ne, %sign3A_691, %sign3A_698 : i32
    %rem3A_700 = arith.remsi %arg1, %jit3A_685 : i32
    %ne3A_701 = arith.constant 0 : i32
    %ne3A_702 = arith.cmpi ne, %rem3A_700, %ne3A_701 : i32
    %and3A_703 = arith.andi %ne3A_699, %ne3A_702 : i1
    %sub3A_704 = arith.constant 1 : i32
    %sub3A_705 = arith.subi %div3A, %sub3A_704 : i32
    %select_n3A_706 = arith.select %and3A_703, %sub3A_705, %div3A : i32
    %mul3A_707 = arith.constant 2 : i32
    %mul3A_708 = arith.muli %select_n3A_706, %mul3A_707 : i32
    %add3A_709 = arith.addi %mul3A_708, %arg0 : i32
    %lt3A_710 = arith.constant 26 : i32
    %lt3A_711 = arith.cmpi slt, %add3A_709, %lt3A_710 : i32
    %convert_element_type3A_712 = arith.extui %lt3A_711 : i1 to i32
    %cond3A_713 = arith.constant 0 : i32
    %cond3A_714 = arith.cmpi ne, %convert_element_type3A_712, %cond3A_713 : i32
    scf.if %cond3A_714 {
      %dma_start3A = arith.constant 0 : i32
      %dma_start3A_722 = arith.constant 0 : i32
      %dma_start3A_723 = tpu.memref_slice %arg9[%add3A_709, %dma_start3A, %dma_start3A_722] : memref<26x1x16xi32, #tpu.memory_space<vmem>> -> memref<1x1x16xi32, #tpu.memory_space<vmem>>
      %dma_start3A_724 = tpu.memref_squeeze %dma_start3A_723 : memref<1x1x16xi32, #tpu.memory_space<vmem>> -> memref<16xi32, #tpu.memory_space<vmem>>
      %dma_start3A_725 = arith.constant 0 : i32
      %dma_start3A_726 = arith.constant 0 : i32
      %dma_start3A_727 = tpu.memref_slice %arg2[%dma_start3A_725, %dma_start3A_726] : memref<8192x768xf32, #tpu.memory_space<hbm>> -> memref<8192x768xf32, #tpu.memory_space<hbm>>
      tpu.enqueue_indirect_dma source(%dma_start3A_727 : memref<8192x768xf32, #tpu.memory_space<hbm>>) target(%arg11 : memref<16x768xf32, #tpu.memory_space<vmem>>) offsets(%dma_start3A_724 : memref<16xi32, #tpu.memory_space<vmem>>) semaphore(%arg12 : memref<!tpu.dma_semaphore, #tpu.memory_space<semaphore_mem>>)
      %dma_wait3A = arith.constant 0 : i32
      %dma_wait3A_728 = arith.constant 0 : i32
      %dma_wait3A_729 = tpu.memref_slice %arg9[%add3A_709, %dma_wait3A, %dma_wait3A_728] : memref<26x1x16xi32, #tpu.memory_space<vmem>> -> memref<1x1x16xi32, #tpu.memory_space<vmem>>
      %dma_wait3A_730 = tpu.memref_squeeze %dma_wait3A_729 : memref<1x1x16xi32, #tpu.memory_space<vmem>> -> memref<16xi32, #tpu.memory_space<vmem>>
      %dma_wait3A_731 = arith.constant 0 : i32
      %dma_wait3A_732 = arith.constant 0 : i32
      %dma_wait3A_733 = tpu.memref_slice %arg2[%dma_wait3A_731, %dma_wait3A_732] : memref<8192x768xf32, #tpu.memory_space<hbm>> -> memref<8192x768xf32, #tpu.memory_space<hbm>>
      tpu.wait_indirect_dma semaphore(%arg12 : memref<!tpu.dma_semaphore, #tpu.memory_space<semaphore_mem>>) src(%dma_wait3A_733 : memref<8192x768xf32, #tpu.memory_space<hbm>>) dst(%arg11 : memref<16x768xf32, #tpu.memory_space<vmem>>)
      %mul3A_734 = arith.constant 26 : i32
      %mul3A_735 = arith.muli %select_n3A_7, %mul3A_734 : i32
      %add3A_736 = arith.addi %mul3A_735, %add3A_709 : i32
      %mul3A_737 = arith.constant 16 : i32
      %mul3A_738 = arith.muli %add3A_736, %mul3A_737 : i32
      "tpu.region"() ({
        %run_scoped3A_739 = tpu.sem_alloc : memref<!tpu.dma_semaphore, #tpu.memory_space<semaphore_mem>>
        %dma_start3A_740 = arith.constant 0 : i32
        %dma_start3A_741 = tpu.memref_slice %arg5[%mul3A_738, %dma_start3A_740] : memref<832x768xf32, #tpu.memory_space<hbm>> -> memref<16x768xf32, #tpu.memory_space<hbm>>
        %dma_start3A_742 = arith.constant 0 : i32
        %dma_start3A_743 = tpu.memref_slice %arg5[%mul3A_738, %dma_start3A_742] : memref<832x768xf32, #tpu.memory_space<hbm>> -> memref<16x768xf32, #tpu.memory_space<hbm>>
        tpu.enqueue_dma source(%arg11 : memref<16x768xf32, #tpu.memory_space<vmem>>) target(%dma_start3A_743 : memref<16x768xf32, #tpu.memory_space<hbm>>) target_semaphore(%run_scoped3A_739 : memref<!tpu.dma_semaphore, #tpu.memory_space<semaphore_mem>>)
        %dma_wait3A_744 = arith.constant 0 : i32
        %dma_wait3A_745 = tpu.memref_slice %arg5[%mul3A_738, %dma_wait3A_744] : memref<832x768xf32, #tpu.memory_space<hbm>> -> memref<16x768xf32, #tpu.memory_space<hbm>>
        %dma_wait3A_746 = arith.constant 0 : i32
        %dma_wait3A_747 = tpu.memref_slice %arg5[%mul3A_738, %dma_wait3A_746] : memref<832x768xf32, #tpu.memory_space<hbm>> -> memref<16x768xf32, #tpu.memory_space<hbm>>
        tpu.wait_dma2 semaphore(%run_scoped3A_739 : memref<!tpu.dma_semaphore, #tpu.memory_space<semaphore_mem>>) src(%arg11 : memref<16x768xf32, #tpu.memory_space<vmem>>) dst(%dma_wait3A_747 : memref<16x768xf32, #tpu.memory_space<hbm>>)
        tpu.yield
      }) : () -> ()
    } else {
    }
    %add3A_715 = arith.constant 16 : i32
    %add3A_716 = arith.addi %add3A_709, %add3A_715 : i32
    %lt3A_717 = arith.constant 26 : i32
    %lt3A_718 = arith.cmpi slt, %add3A_716, %lt3A_717 : i32
    %convert_element_type3A_719 = arith.extui %lt3A_718 : i1 to i32
    %cond3A_720 = arith.constant 0 : i32
    %cond3A_721 = arith.cmpi ne, %convert_element_type3A_719, %cond3A_720 : i32
    scf.if %cond3A_721 {
      %add3A_722 = arith.constant 16 : i32
      %add3A_723 = arith.addi %add3A_709, %add3A_722 : i32
      %dma_start3A = arith.constant 0 : i32
      %dma_start3A_724 = arith.constant 0 : i32
      %dma_start3A_725 = tpu.memref_slice %arg9[%add3A_723, %dma_start3A, %dma_start3A_724] : memref<26x1x16xi32, #tpu.memory_space<vmem>> -> memref<1x1x16xi32, #tpu.memory_space<vmem>>
      %dma_start3A_726 = tpu.memref_squeeze %dma_start3A_725 : memref<1x1x16xi32, #tpu.memory_space<vmem>> -> memref<16xi32, #tpu.memory_space<vmem>>
      %dma_start3A_727 = arith.constant 0 : i32
      %dma_start3A_728 = arith.constant 0 : i32
      %dma_start3A_729 = tpu.memref_slice %arg2[%dma_start3A_727, %dma_start3A_728] : memref<8192x768xf32, #tpu.memory_space<hbm>> -> memref<8192x768xf32, #tpu.memory_space<hbm>>
      tpu.enqueue_indirect_dma source(%dma_start3A_729 : memref<8192x768xf32, #tpu.memory_space<hbm>>) target(%arg11 : memref<16x768xf32, #tpu.memory_space<vmem>>) offsets(%dma_start3A_726 : memref<16xi32, #tpu.memory_space<vmem>>) semaphore(%arg12 : memref<!tpu.dma_semaphore, #tpu.memory_space<semaphore_mem>>)
      %dma_wait3A = arith.constant 0 : i32
      %dma_wait3A_730 = arith.constant 0 : i32
      %dma_wait3A_731 = tpu.memref_slice %arg9[%add3A_723, %dma_wait3A, %dma_wait3A_730] : memref<26x1x16xi32, #tpu.memory_space<vmem>> -> memref<1x1x16xi32, #tpu.memory_space<vmem>>
      %dma_wait3A_732 = tpu.memref_squeeze %dma_wait3A_731 : memref<1x1x16xi32, #tpu.memory_space<vmem>> -> memref<16xi32, #tpu.memory_space<vmem>>
      %dma_wait3A_733 = arith.constant 0 : i32
      %dma_wait3A_734 = arith.constant 0 : i32
      %dma_wait3A_735 = tpu.memref_slice %arg2[%dma_wait3A_733, %dma_wait3A_734] : memref<8192x768xf32, #tpu.memory_space<hbm>> -> memref<8192x768xf32, #tpu.memory_space<hbm>>
      tpu.wait_indirect_dma semaphore(%arg12 : memref<!tpu.dma_semaphore, #tpu.memory_space<semaphore_mem>>) src(%dma_wait3A_735 : memref<8192x768xf32, #tpu.memory_space<hbm>>) dst(%arg11 : memref<16x768xf32, #tpu.memory_space<vmem>>)
      %mul3A_736 = arith.constant 26 : i32
      %mul3A_737 = arith.muli %select_n3A_7, %mul3A_736 : i32
      %add3A_738 = arith.addi %mul3A_737, %add3A_723 : i32
      %mul3A_739 = arith.constant 16 : i32
      %mul3A_740 = arith.muli %add3A_738, %mul3A_739 : i32
      "tpu.region"() ({
        %run_scoped3A_741 = tpu.sem_alloc : memref<!tpu.dma_semaphore, #tpu.memory_space<semaphore_mem>>
        %dma_start3A_742 = arith.constant 0 : i32
        %dma_start3A_743 = tpu.memref_slice %arg5[%mul3A_740, %dma_start3A_742] : memref<832x768xf32, #tpu.memory_space<hbm>> -> memref<16x768xf32, #tpu.memory_space<hbm>>
        %dma_start3A_744 = arith.constant 0 : i32
        %dma_start3A_745 = tpu.memref_slice %arg5[%mul3A_740, %dma_start3A_744] : memref<832x768xf32, #tpu.memory_space<hbm>> -> memref<16x768xf32, #tpu.memory_space<hbm>>
        tpu.enqueue_dma source(%arg11 : memref<16x768xf32, #tpu.memory_space<vmem>>) target(%dma_start3A_745 : memref<16x768xf32, #tpu.memory_space<hbm>>) target_semaphore(%run_scoped3A_741 : memref<!tpu.dma_semaphore, #tpu.memory_space<semaphore_mem>>)
        %dma_wait3A_746 = arith.constant 0 : i32
        %dma_wait3A_747 = tpu.memref_slice %arg5[%mul3A_740, %dma_wait3A_746] : memref<832x768xf32, #tpu.memory_space<hbm>> -> memref<16x768xf32, #tpu.memory_space<hbm>>
        %dma_wait3A_748 = arith.constant 0 : i32
        %dma_wait3A_749 = tpu.memref_slice %arg5[%mul3A_740, %dma_wait3A_748] : memref<832x768xf32, #tpu.memory_space<hbm>> -> memref<16x768xf32, #tpu.memory_space<hbm>>
        tpu.wait_dma2 semaphore(%run_scoped3A_741 : memref<!tpu.dma_semaphore, #tpu.memory_space<semaphore_mem>>) src(%arg11 : memref<16x768xf32, #tpu.memory_space<vmem>>) dst(%dma_wait3A_749 : memref<16x768xf32, #tpu.memory_space<hbm>>)
        tpu.yield
      }) : () -> ()
    } else {
    }
    return
  }
}

module attributes {stable_mosaic.version = 14 : i64} {
  func.func @_thr_body(%arg0: i32, %arg1: memref<1x8x512xf32, #tpu.memory_space<vmem>>, %arg2: memref<1x8x128xi32, #tpu.memory_space<vmem>>) attributes {dimension_semantics = [#tpu.dimension_semantics<arbitrary>], iteration_bounds = array<i64: 2>, scalar_prefetch = 0 : i64, scratch_operands = 0 : i64, tpu.core_type = #tpu.core_type<tc>, window_params = [{transform_indices = @transform_0, window_bounds = array<i64: 1, 8, 512>}, {transform_indices = @transform_1, window_bounds = array<i64: 1, 8, 128>}]} {
    %get3A = arith.constant 0 : index
    %get3A_0 = arith.constant 0 : index
    %get3A_1 = arith.constant 0 : index
    %get3A_2 = vector.load %arg1[%get3A, %get3A_0, %get3A_1] : memref<1x8x512xf32, #tpu.memory_space<vmem>>, vector<1x8x512xf32>
    %get3A_3 = vector.shape_cast %get3A_2 : vector<1x8x512xf32> to vector<8x512xf32>
    %bitcast_convert_type3A = tpu.bitcast %get3A_3 : vector<8x512xf32> -> vector<8x512xi32>
    %iota3A = tpu.iota {dimensions = array<i32: 0>} : vector<8x512xi32>
    %mul3A = arith.constant 512 : i32
    %mul3A_4 = vector.broadcast %mul3A : i32 to vector<8x512xi32>
    %mul3A_5 = arith.muli %iota3A, %mul3A_4 : vector<8x512xi32>
    %iota3A_6 = tpu.iota {dimensions = array<i32: 1>} : vector<8x512xi32>
    %add3A = arith.addi %mul3A_5, %iota3A_6 : vector<8x512xi32>
    %eq3A = arith.constant 0 : i32
    %eq3A_7 = vector.broadcast %eq3A : i32 to vector<8x512xi32>
    %eq3A_8 = arith.cmpi eq, %add3A, %eq3A_7 : vector<8x512xi32>
    %jit3A = arith.constant -2147483648 : i32
    %broadcast_in_dim3A = vector.broadcast %jit3A : i32 to vector<8x512xi32>
    %select_n3A = arith.select %eq3A_8, %broadcast_in_dim3A, %bitcast_convert_type3A : vector<8x512xi1>, vector<8x512xi32>
    %scan3A = arith.constant 0 : i32
    %scan3A_9 = arith.constant 1073741824 : i32
    %scan3A_10 = arith.constant 0 : i32
    %scan3A_11 = arith.constant 12 : i32
    %scan3A_12 = arith.addi %scan3A_10, %scan3A_11 : i32
    %scan3A_13 = arith.constant 1 : i32
    %scan3A_14:2 = scf.for %scan3A_48 = %scan3A_10 to %scan3A_12 step %scan3A_13 iter_args(%scan3A_49 = %scan3A, %scan3A_50 = %scan3A_9) -> (i32, i32)  : i32 {
      %sub3A = arith.subi %scan3A_50, %scan3A_49 : i32
      %jit3A_51 = arith.constant 8 : i32
      %div3A = arith.divsi %sub3A, %jit3A_51 : i32
      %sign3A = arith.constant 0 : i32
      %sign3A_52 = arith.cmpi sgt, %sub3A, %sign3A : i32
      %sign3A_53 = arith.extui %sign3A_52 : i1 to i32
      %sign3A_54 = arith.constant 0 : i32
      %sign3A_55 = arith.cmpi slt, %sub3A, %sign3A_54 : i32
      %sign3A_56 = arith.extui %sign3A_55 : i1 to i32
      %sign3A_57 = arith.subi %sign3A_53, %sign3A_56 : i32
      %sign3A_58 = arith.constant 0 : i32
      %sign3A_59 = arith.cmpi sgt, %jit3A_51, %sign3A_58 : i32
      %sign3A_60 = arith.extui %sign3A_59 : i1 to i32
      %sign3A_61 = arith.constant 0 : i32
      %sign3A_62 = arith.cmpi slt, %jit3A_51, %sign3A_61 : i32
      %sign3A_63 = arith.extui %sign3A_62 : i1 to i32
      %sign3A_64 = arith.subi %sign3A_60, %sign3A_63 : i32
      %ne3A = arith.cmpi ne, %sign3A_57, %sign3A_64 : i32
      %rem3A = arith.remsi %sub3A, %jit3A_51 : i32
      %ne3A_65 = arith.constant 0 : i32
      %ne3A_66 = arith.cmpi ne, %rem3A, %ne3A_65 : i32
      %and3A_67 = arith.andi %ne3A, %ne3A_66 : i1
      %sub3A_68 = arith.constant 1 : i32
      %sub3A_69 = arith.subi %div3A, %sub3A_68 : i32
      %select_n3A_70 = arith.select %and3A_67, %sub3A_69, %div3A : i32
      %max3A = arith.constant 1 : i32
      %max3A_71 = arith.maxsi %select_n3A_70, %max3A : i32
      %mul3A_72 = arith.constant 1 : i32
      %mul3A_73 = arith.muli %max3A_71, %mul3A_72 : i32
      %add3A_74 = arith.addi %scan3A_49, %mul3A_73 : i32
      %ge3A_75 = vector.broadcast %add3A_74 : i32 to vector<8x512xi32>
      %ge3A_76 = arith.cmpi sge, %select_n3A, %ge3A_75 : vector<8x512xi32>
      %convert_element_type3A_77 = arith.extui %ge3A_76 : vector<8x512xi1> to vector<8x512xi32>
      %reduce_sum3A_78 = vector.shape_cast %convert_element_type3A_77 : vector<8x512xi32> to vector<1x8x512xi32>
      %reduce_sum3A_79 = arith.constant dense<0> : vector<1xi32>
      %reduce_sum3A_80 = vector.multi_reduction <add>, %reduce_sum3A_78, %reduce_sum3A_79 [1, 2] : vector<1x8x512xi32> to vector<1xi32>
      %reduce_sum3A_81 = vector.shape_cast %reduce_sum3A_80 : vector<1xi32> to vector<1x1x1xi32>
      %reduce_sum3A_82 = vector.extract %reduce_sum3A_81[0, 0, 0] : i32 from vector<1x1x1xi32>
      %ge3A_83 = arith.constant 409 : i32
      %ge3A_84 = arith.cmpi sge, %reduce_sum3A_82, %ge3A_83 : i32
      %max3A_85 = arith.maxsi %scan3A_49, %add3A_74 : i32
      %select_n3A_86 = arith.select %ge3A_84, %max3A_85, %scan3A_49 : i32
      %min3A = arith.minsi %scan3A_50, %add3A_74 : i32
      %select_n3A_87 = arith.select %ge3A_84, %scan3A_50, %min3A : i32
      %mul3A_88 = arith.constant 2 : i32
      %mul3A_89 = arith.muli %max3A_71, %mul3A_88 : i32
      %add3A_90 = arith.addi %scan3A_49, %mul3A_89 : i32
      %ge3A_91 = vector.broadcast %add3A_90 : i32 to vector<8x512xi32>
      %ge3A_92 = arith.cmpi sge, %select_n3A, %ge3A_91 : vector<8x512xi32>
      %convert_element_type3A_93 = arith.extui %ge3A_92 : vector<8x512xi1> to vector<8x512xi32>
      %reduce_sum3A_94 = vector.shape_cast %convert_element_type3A_93 : vector<8x512xi32> to vector<1x8x512xi32>
      %reduce_sum3A_95 = arith.constant dense<0> : vector<1xi32>
      %reduce_sum3A_96 = vector.multi_reduction <add>, %reduce_sum3A_94, %reduce_sum3A_95 [1, 2] : vector<1x8x512xi32> to vector<1xi32>
      %reduce_sum3A_97 = vector.shape_cast %reduce_sum3A_96 : vector<1xi32> to vector<1x1x1xi32>
      %reduce_sum3A_98 = vector.extract %reduce_sum3A_97[0, 0, 0] : i32 from vector<1x1x1xi32>
      %ge3A_99 = arith.constant 409 : i32
      %ge3A_100 = arith.cmpi sge, %reduce_sum3A_98, %ge3A_99 : i32
      %max3A_101 = arith.maxsi %select_n3A_86, %add3A_90 : i32
      %select_n3A_102 = arith.select %ge3A_100, %max3A_101, %select_n3A_86 : i32
      %min3A_103 = arith.minsi %select_n3A_87, %add3A_90 : i32
      %select_n3A_104 = arith.select %ge3A_100, %select_n3A_87, %min3A_103 : i32
      %mul3A_105 = arith.constant 3 : i32
      %mul3A_106 = arith.muli %max3A_71, %mul3A_105 : i32
      %add3A_107 = arith.addi %scan3A_49, %mul3A_106 : i32
      %ge3A_108 = vector.broadcast %add3A_107 : i32 to vector<8x512xi32>
      %ge3A_109 = arith.cmpi sge, %select_n3A, %ge3A_108 : vector<8x512xi32>
      %convert_element_type3A_110 = arith.extui %ge3A_109 : vector<8x512xi1> to vector<8x512xi32>
      %reduce_sum3A_111 = vector.shape_cast %convert_element_type3A_110 : vector<8x512xi32> to vector<1x8x512xi32>
      %reduce_sum3A_112 = arith.constant dense<0> : vector<1xi32>
      %reduce_sum3A_113 = vector.multi_reduction <add>, %reduce_sum3A_111, %reduce_sum3A_112 [1, 2] : vector<1x8x512xi32> to vector<1xi32>
      %reduce_sum3A_114 = vector.shape_cast %reduce_sum3A_113 : vector<1xi32> to vector<1x1x1xi32>
      %reduce_sum3A_115 = vector.extract %reduce_sum3A_114[0, 0, 0] : i32 from vector<1x1x1xi32>
      %ge3A_116 = arith.constant 409 : i32
      %ge3A_117 = arith.cmpi sge, %reduce_sum3A_115, %ge3A_116 : i32
      %max3A_118 = arith.maxsi %select_n3A_102, %add3A_107 : i32
      %select_n3A_119 = arith.select %ge3A_117, %max3A_118, %select_n3A_102 : i32
      %min3A_120 = arith.minsi %select_n3A_104, %add3A_107 : i32
      %select_n3A_121 = arith.select %ge3A_117, %select_n3A_104, %min3A_120 : i32
      %mul3A_122 = arith.constant 4 : i32
      %mul3A_123 = arith.muli %max3A_71, %mul3A_122 : i32
      %add3A_124 = arith.addi %scan3A_49, %mul3A_123 : i32
      %ge3A_125 = vector.broadcast %add3A_124 : i32 to vector<8x512xi32>
      %ge3A_126 = arith.cmpi sge, %select_n3A, %ge3A_125 : vector<8x512xi32>
      %convert_element_type3A_127 = arith.extui %ge3A_126 : vector<8x512xi1> to vector<8x512xi32>
      %reduce_sum3A_128 = vector.shape_cast %convert_element_type3A_127 : vector<8x512xi32> to vector<1x8x512xi32>
      %reduce_sum3A_129 = arith.constant dense<0> : vector<1xi32>
      %reduce_sum3A_130 = vector.multi_reduction <add>, %reduce_sum3A_128, %reduce_sum3A_129 [1, 2] : vector<1x8x512xi32> to vector<1xi32>
      %reduce_sum3A_131 = vector.shape_cast %reduce_sum3A_130 : vector<1xi32> to vector<1x1x1xi32>
      %reduce_sum3A_132 = vector.extract %reduce_sum3A_131[0, 0, 0] : i32 from vector<1x1x1xi32>
      %ge3A_133 = arith.constant 409 : i32
      %ge3A_134 = arith.cmpi sge, %reduce_sum3A_132, %ge3A_133 : i32
      %max3A_135 = arith.maxsi %select_n3A_119, %add3A_124 : i32
      %select_n3A_136 = arith.select %ge3A_134, %max3A_135, %select_n3A_119 : i32
      %min3A_137 = arith.minsi %select_n3A_121, %add3A_124 : i32
      %select_n3A_138 = arith.select %ge3A_134, %select_n3A_121, %min3A_137 : i32
      %mul3A_139 = arith.constant 5 : i32
      %mul3A_140 = arith.muli %max3A_71, %mul3A_139 : i32
      %add3A_141 = arith.addi %scan3A_49, %mul3A_140 : i32
      %ge3A_142 = vector.broadcast %add3A_141 : i32 to vector<8x512xi32>
      %ge3A_143 = arith.cmpi sge, %select_n3A, %ge3A_142 : vector<8x512xi32>
      %convert_element_type3A_144 = arith.extui %ge3A_143 : vector<8x512xi1> to vector<8x512xi32>
      %reduce_sum3A_145 = vector.shape_cast %convert_element_type3A_144 : vector<8x512xi32> to vector<1x8x512xi32>
      %reduce_sum3A_146 = arith.constant dense<0> : vector<1xi32>
      %reduce_sum3A_147 = vector.multi_reduction <add>, %reduce_sum3A_145, %reduce_sum3A_146 [1, 2] : vector<1x8x512xi32> to vector<1xi32>
      %reduce_sum3A_148 = vector.shape_cast %reduce_sum3A_147 : vector<1xi32> to vector<1x1x1xi32>
      %reduce_sum3A_149 = vector.extract %reduce_sum3A_148[0, 0, 0] : i32 from vector<1x1x1xi32>
      %ge3A_150 = arith.constant 409 : i32
      %ge3A_151 = arith.cmpi sge, %reduce_sum3A_149, %ge3A_150 : i32
      %max3A_152 = arith.maxsi %select_n3A_136, %add3A_141 : i32
      %select_n3A_153 = arith.select %ge3A_151, %max3A_152, %select_n3A_136 : i32
      %min3A_154 = arith.minsi %select_n3A_138, %add3A_141 : i32
      %select_n3A_155 = arith.select %ge3A_151, %select_n3A_138, %min3A_154 : i32
      %mul3A_156 = arith.constant 6 : i32
      %mul3A_157 = arith.muli %max3A_71, %mul3A_156 : i32
      %add3A_158 = arith.addi %scan3A_49, %mul3A_157 : i32
      %ge3A_159 = vector.broadcast %add3A_158 : i32 to vector<8x512xi32>
      %ge3A_160 = arith.cmpi sge, %select_n3A, %ge3A_159 : vector<8x512xi32>
      %convert_element_type3A_161 = arith.extui %ge3A_160 : vector<8x512xi1> to vector<8x512xi32>
      %reduce_sum3A_162 = vector.shape_cast %convert_element_type3A_161 : vector<8x512xi32> to vector<1x8x512xi32>
      %reduce_sum3A_163 = arith.constant dense<0> : vector<1xi32>
      %reduce_sum3A_164 = vector.multi_reduction <add>, %reduce_sum3A_162, %reduce_sum3A_163 [1, 2] : vector<1x8x512xi32> to vector<1xi32>
      %reduce_sum3A_165 = vector.shape_cast %reduce_sum3A_164 : vector<1xi32> to vector<1x1x1xi32>
      %reduce_sum3A_166 = vector.extract %reduce_sum3A_165[0, 0, 0] : i32 from vector<1x1x1xi32>
      %ge3A_167 = arith.constant 409 : i32
      %ge3A_168 = arith.cmpi sge, %reduce_sum3A_166, %ge3A_167 : i32
      %max3A_169 = arith.maxsi %select_n3A_153, %add3A_158 : i32
      %select_n3A_170 = arith.select %ge3A_168, %max3A_169, %select_n3A_153 : i32
      %min3A_171 = arith.minsi %select_n3A_155, %add3A_158 : i32
      %select_n3A_172 = arith.select %ge3A_168, %select_n3A_155, %min3A_171 : i32
      %mul3A_173 = arith.constant 7 : i32
      %mul3A_174 = arith.muli %max3A_71, %mul3A_173 : i32
      %add3A_175 = arith.addi %scan3A_49, %mul3A_174 : i32
      %ge3A_176 = vector.broadcast %add3A_175 : i32 to vector<8x512xi32>
      %ge3A_177 = arith.cmpi sge, %select_n3A, %ge3A_176 : vector<8x512xi32>
      %convert_element_type3A_178 = arith.extui %ge3A_177 : vector<8x512xi1> to vector<8x512xi32>
      %reduce_sum3A_179 = vector.shape_cast %convert_element_type3A_178 : vector<8x512xi32> to vector<1x8x512xi32>
      %reduce_sum3A_180 = arith.constant dense<0> : vector<1xi32>
      %reduce_sum3A_181 = vector.multi_reduction <add>, %reduce_sum3A_179, %reduce_sum3A_180 [1, 2] : vector<1x8x512xi32> to vector<1xi32>
      %reduce_sum3A_182 = vector.shape_cast %reduce_sum3A_181 : vector<1xi32> to vector<1x1x1xi32>
      %reduce_sum3A_183 = vector.extract %reduce_sum3A_182[0, 0, 0] : i32 from vector<1x1x1xi32>
      %ge3A_184 = arith.constant 409 : i32
      %ge3A_185 = arith.cmpi sge, %reduce_sum3A_183, %ge3A_184 : i32
      %max3A_186 = arith.maxsi %select_n3A_170, %add3A_175 : i32
      %select_n3A_187 = arith.select %ge3A_185, %max3A_186, %select_n3A_170 : i32
      %min3A_188 = arith.minsi %select_n3A_172, %add3A_175 : i32
      %select_n3A_189 = arith.select %ge3A_185, %select_n3A_172, %min3A_188 : i32
      scf.yield %select_n3A_187, %select_n3A_189 : i32, i32
    }
    %add3A_15 = arith.constant 1 : i32
    %add3A_16 = arith.addi %scan3A_14#0, %add3A_15 : i32
    %ge3A = vector.broadcast %add3A_16 : i32 to vector<8x512xi32>
    %ge3A_17 = arith.cmpi sge, %select_n3A, %ge3A : vector<8x512xi32>
    %convert_element_type3A = arith.extui %ge3A_17 : vector<8x512xi1> to vector<8x512xi32>
    %reduce_sum3A = vector.shape_cast %convert_element_type3A : vector<8x512xi32> to vector<1x8x512xi32>
    %reduce_sum3A_18 = arith.constant dense<0> : vector<1xi32>
    %reduce_sum3A_19 = vector.multi_reduction <add>, %reduce_sum3A, %reduce_sum3A_18 [1, 2] : vector<1x8x512xi32> to vector<1xi32>
    %reduce_sum3A_20 = vector.shape_cast %reduce_sum3A_19 : vector<1xi32> to vector<1x1x1xi32>
    %reduce_sum3A_21 = vector.extract %reduce_sum3A_20[0, 0, 0] : i32 from vector<1x1x1xi32>
    %iota3A_22 = tpu.iota {dimensions = array<i32: 0>} : vector<8x128xi32>
    %iota3A_23 = tpu.iota {dimensions = array<i32: 1>} : vector<8x128xi32>
    %eq3A_24 = arith.constant 0 : i32
    %eq3A_25 = vector.broadcast %eq3A_24 : i32 to vector<8x128xi32>
    %eq3A_26 = arith.cmpi eq, %iota3A_22, %eq3A_25 : vector<8x128xi32>
    %eq3A_27 = arith.constant 0 : i32
    %eq3A_28 = vector.broadcast %eq3A_27 : i32 to vector<8x128xi32>
    %eq3A_29 = arith.cmpi eq, %iota3A_23, %eq3A_28 : vector<8x128xi32>
    %and3A = arith.andi %eq3A_26, %eq3A_29 : vector<8x128xi1>
    %eq3A_30 = arith.constant 0 : i32
    %eq3A_31 = vector.broadcast %eq3A_30 : i32 to vector<8x128xi32>
    %eq3A_32 = arith.cmpi eq, %iota3A_22, %eq3A_31 : vector<8x128xi32>
    %eq3A_33 = arith.constant 1 : i32
    %eq3A_34 = vector.broadcast %eq3A_33 : i32 to vector<8x128xi32>
    %eq3A_35 = arith.cmpi eq, %iota3A_23, %eq3A_34 : vector<8x128xi32>
    %and3A_36 = arith.andi %eq3A_32, %eq3A_35 : vector<8x128xi1>
    %jit3A_37 = arith.constant 0 : i32
    %broadcast_in_dim3A_38 = vector.broadcast %reduce_sum3A_21 : i32 to vector<8x128xi32>
    %broadcast_in_dim3A_39 = vector.broadcast %jit3A_37 : i32 to vector<8x128xi32>
    %select_n3A_40 = arith.select %and3A_36, %broadcast_in_dim3A_38, %broadcast_in_dim3A_39 : vector<8x128xi1>, vector<8x128xi32>
    %broadcast_in_dim3A_41 = vector.broadcast %scan3A_14#0 : i32 to vector<8x128xi32>
    %select_n3A_42 = arith.select %and3A, %broadcast_in_dim3A_41, %select_n3A_40 : vector<8x128xi1>, vector<8x128xi32>
    %swap3A = arith.constant 0 : index
    %swap3A_43 = arith.constant 0 : index
    %swap3A_44 = arith.constant 0 : index
    %swap3A_45 = vector.load %arg2[%swap3A, %swap3A_43, %swap3A_44] : memref<1x8x128xi32, #tpu.memory_space<vmem>>, vector<1x8x128xi32>
    %swap3A_46 = vector.shape_cast %swap3A_45 : vector<1x8x128xi32> to vector<8x128xi32>
    %swap3A_47 = vector.shape_cast %select_n3A_42 : vector<8x128xi32> to vector<1x8x128xi32>
    tpu.vector_store %arg2[%swap3A, %swap3A_43, %swap3A_44], %swap3A_47 {strides = array<i32>} : memref<1x8x128xi32, #tpu.memory_space<vmem>>, vector<1x8x128xi32>,
    return
  }
  func.func @transform_0(%arg0: i32) -> (i32, i32, i32) {
    %c0_i32 = arith.constant 0 : i32
    %c0_i32_0 = arith.constant 0 : i32
    %c0_i32_1 = arith.constant 0 : i32
    return %arg0, %c0_i32, %c0_i32_0 : i32, i32, i32
  }
  func.func @transform_1(%arg0: i32) -> (i32, i32, i32) {
    %c0_i32 = arith.constant 0 : i32
    %c0_i32_0 = arith.constant 0 : i32
    %c0_i32_1 = arith.constant 0 : i32
    return %arg0, %c0_i32, %c0_i32_0 : i32, i32, i32
  }
}

module attributes {stable_mosaic.version = 14 : i64} {
  func.func @_kv_body(%arg0: i32, %arg1: i32, %arg2: memref<1x1024x768xf32, #tpu.memory_space<vmem>>, %arg3: memref<1536x768xf32, #tpu.memory_space<vmem>>, %arg4: memref<1x1536xf32, #tpu.memory_space<vmem>>, %arg5: memref<1x1024x1536xbf16, #tpu.memory_space<vmem>>, %arg6: memref<1x1024x768xf32, #tpu.memory_space<vmem>>, %arg7: memref<1536x768xbf16, #tpu.memory_space<vmem>>) attributes {dimension_semantics = [#tpu.dimension_semantics<arbitrary>, #tpu.dimension_semantics<arbitrary>], iteration_bounds = array<i64: 2, 4>, scalar_prefetch = 0 : i64, scratch_operands = 1 : i64, tpu.core_type = #tpu.core_type<tc>, window_params = [{transform_indices = @transform_0, window_bounds = array<i64: 1, 1024, 768>}, {pipeline_mode = #tpu.pipeline_mode<synchronous>, transform_indices = @transform_1, window_bounds = array<i64: 1536, 768>}, {pipeline_mode = #tpu.pipeline_mode<synchronous>, transform_indices = @transform_2, window_bounds = array<i64: 1, 1536>}, {transform_indices = @transform_3, window_bounds = array<i64: 1, 1024, 1536>}, {transform_indices = @transform_4, window_bounds = array<i64: 1, 1024, 768>}]} {
    %eq3A = arith.constant 0 : i32
    %eq3A_0 = arith.cmpi eq, %arg0, %eq3A : i32
    %eq3A_1 = arith.constant 0 : i32
    %eq3A_2 = arith.cmpi eq, %arg1, %eq3A_1 : i32
    %and3A = arith.andi %eq3A_0, %eq3A_2 : i1
    %convert_element_type3A = arith.extui %and3A : i1 to i32
    %cond3A = arith.constant 0 : i32
    %cond3A_3 = arith.cmpi ne, %convert_element_type3A, %cond3A : i32
    scf.if %cond3A_3 {
      %get3A_31 = arith.constant 0 : index
      %get3A_32 = arith.constant 0 : index
      %get3A_33 = vector.load %arg3[%get3A_31, %get3A_32] : memref<1536x768xf32, #tpu.memory_space<vmem>>, vector<1536x768xf32>
      %convert_element_type3A_34 = arith.truncf %get3A_33 : vector<1536x768xf32> to vector<1536x768xbf16>
      %swap3A_35 = arith.constant 0 : index
      %swap3A_36 = arith.constant 0 : index
      %swap3A_37 = vector.load %arg7[%swap3A_35, %swap3A_36] : memref<1536x768xbf16, #tpu.memory_space<vmem>>, vector<1536x768xbf16>
      tpu.vector_store %arg7[%swap3A_35, %swap3A_36], %convert_element_type3A_34 {strides = array<i32>} : memref<1536x768xbf16, #tpu.memory_space<vmem>>, vector<1536x768xbf16>,
    } else {
    }
    %get3A = arith.constant 0 : index
    %get3A_4 = arith.constant 0 : index
    %get3A_5 = arith.constant 0 : index
    %get3A_6 = vector.load %arg2[%get3A, %get3A_4, %get3A_5] : memref<1x1024x768xf32, #tpu.memory_space<vmem>>, vector<1x1024x768xf32>
    %get3A_7 = vector.shape_cast %get3A_6 : vector<1x1024x768xf32> to vector<1024x768xf32>
    %convert_element_type3A_8 = arith.truncf %get3A_7 : vector<1024x768xf32> to vector<1024x768xbf16>
    %get3A_9 = arith.constant 0 : index
    %get3A_10 = arith.constant 0 : index
    %get3A_11 = vector.load %arg7[%get3A_9, %get3A_10] : memref<1536x768xbf16, #tpu.memory_space<vmem>>, vector<1536x768xbf16>
    %dot_general3A = arith.constant dense<0.000000e+00> : vector<1024x1536xf32>
    %dot_general3A_12 = tpu.matmul %convert_element_type3A_8, %get3A_11, %dot_general3A {dimension_numbers = #tpu.dot_dimension_numbers<[1], [1], [0], [0], [0, 0, 1, 0], [], []>, transpose_lhs_hint = false} : vector<1024x768xbf16>, vector<1536x768xbf16>, vector<1024x1536xf32> -> vector<1024x1536xf32>
    %get3A_13 = arith.constant 0 : index
    %get3A_14 = arith.constant 0 : index
    %get3A_15 = vector.load %arg4[%get3A_13, %get3A_14] : memref<1x1536xf32, #tpu.memory_space<vmem>>, vector<1x1536xf32>
    %add3A = vector.broadcast %get3A_15 : vector<1x1536xf32> to vector<1024x1536xf32>
    %add3A_16 = arith.addf %dot_general3A_12, %add3A : vector<1024x1536xf32>
    %convert_element_type3A_17 = arith.truncf %add3A_16 : vector<1024x1536xf32> to vector<1024x1536xbf16>
    %swap3A = arith.constant 0 : index
    %swap3A_18 = arith.constant 0 : index
    %swap3A_19 = arith.constant 0 : index
    %swap3A_20 = vector.load %arg5[%swap3A, %swap3A_18, %swap3A_19] : memref<1x1024x1536xbf16, #tpu.memory_space<vmem>>, vector<1x1024x1536xbf16>
    %swap3A_21 = vector.shape_cast %swap3A_20 : vector<1x1024x1536xbf16> to vector<1024x1536xbf16>
    %swap3A_22 = vector.shape_cast %convert_element_type3A_17 : vector<1024x1536xbf16> to vector<1x1024x1536xbf16>
    tpu.vector_store %arg5[%swap3A, %swap3A_18, %swap3A_19], %swap3A_22 {strides = array<i32>} : memref<1x1024x1536xbf16, #tpu.memory_space<vmem>>, vector<1x1024x1536xbf16>,
    %get3A_23 = arith.constant 0 : index
    %get3A_24 = arith.constant 0 : index
    %get3A_25 = arith.constant 0 : index
    %get3A_26 = vector.load %arg2[%get3A_23, %get3A_24, %get3A_25] : memref<1x1024x768xf32, #tpu.memory_space<vmem>>, vector<1x1024x768xf32>
    %swap3A_27 = arith.constant 0 : index
    %swap3A_28 = arith.constant 0 : index
    %swap3A_29 = arith.constant 0 : index
    %swap3A_30 = vector.load %arg6[%swap3A_27, %swap3A_28, %swap3A_29] : memref<1x1024x768xf32, #tpu.memory_space<vmem>>, vector<1x1024x768xf32>
    tpu.vector_store %arg6[%swap3A_27, %swap3A_28, %swap3A_29], %get3A_26 {strides = array<i32>} : memref<1x1024x768xf32, #tpu.memory_space<vmem>>, vector<1x1024x768xf32>,
    return
  }
  func.func @transform_0(%arg0: i32, %arg1: i32) -> (i32, i32, i32) {
    %c0_i32 = arith.constant 0 : i32
    %c0_i32_0 = arith.constant 0 : i32
    return %arg0, %arg1, %c0_i32 : i32, i32, i32
  }
  func.func @transform_1(%arg0: i32, %arg1: i32) -> (i32, i32) {
    %c0_i32 = arith.constant 0 : i32
    %c0_i32_0 = arith.constant 0 : i32
    %c0_i32_1 = arith.constant 0 : i32
    return %c0_i32, %c0_i32_0 : i32, i32
  }
  func.func @transform_2(%arg0: i32, %arg1: i32) -> (i32, i32) {
    %c0_i32 = arith.constant 0 : i32
    %c0_i32_0 = arith.constant 0 : i32
    %c0_i32_1 = arith.constant 0 : i32
    return %c0_i32, %c0_i32_0 : i32, i32
  }
  func.func @transform_3(%arg0: i32, %arg1: i32) -> (i32, i32, i32) {
    %c0_i32 = arith.constant 0 : i32
    %c0_i32_0 = arith.constant 0 : i32
    return %arg0, %arg1, %c0_i32 : i32, i32, i32
  }
  func.func @transform_4(%arg0: i32, %arg1: i32) -> (i32, i32, i32) {
    %c0_i32 = arith.constant 0 : i32
    %c0_i32_0 = arith.constant 0 : i32
    return %arg0, %arg1, %c0_i32 : i32, i32, i32
  }
}

module attributes {stable_mosaic.version = 14 : i64} {
  func.func @_attn_body(%arg0: i32, %arg1: i32, %arg2: memref<1x416x768xf32, #tpu.memory_space<vmem>>, %arg3: memref<384x768xf32, #tpu.memory_space<vmem>>, %arg4: memref<1x384xf32, #tpu.memory_space<vmem>>, %arg5: memref<1x4096x384xbf16, #tpu.memory_space<vmem>>, %arg6: memref<1x4096x384xbf16, #tpu.memory_space<vmem>>, %arg7: memref<768x384xf32, #tpu.memory_space<vmem>>, %arg8: memref<1x768xf32, #tpu.memory_space<vmem>>, %arg9: memref<1x416x768xf32, #tpu.memory_space<vmem>>, %arg10: memref<416x768xf32, #tpu.memory_space<vmem>>) attributes {dimension_semantics = [#tpu.dimension_semantics<arbitrary>, #tpu.dimension_semantics<arbitrary>], iteration_bounds = array<i64: 2, 2>, scalar_prefetch = 0 : i64, scratch_operands = 1 : i64, tpu.core_type = #tpu.core_type<tc>, window_params = [{transform_indices = @transform_0, window_bounds = array<i64: 1, 416, 768>}, {transform_indices = @transform_1, window_bounds = array<i64: 384, 768>}, {transform_indices = @transform_2, window_bounds = array<i64: 1, 384>}, {transform_indices = @transform_3, window_bounds = array<i64: 1, 4096, 384>}, {transform_indices = @transform_4, window_bounds = array<i64: 1, 4096, 384>}, {transform_indices = @transform_5, window_bounds = array<i64: 768, 384>}, {pipeline_mode = #tpu.pipeline_mode<synchronous>, transform_indices = @transform_6, window_bounds = array<i64: 1, 768>}, {transform_indices = @transform_7, window_bounds = array<i64: 1, 416, 768>}]} {
    %get3A = arith.constant 0 : index
    %get3A_0 = arith.constant 0 : index
    %get3A_1 = arith.constant 0 : index
    %get3A_2 = vector.load %arg2[%get3A, %get3A_0, %get3A_1] : memref<1x416x768xf32, #tpu.memory_space<vmem>>, vector<1x416x768xf32>
    %get3A_3 = vector.shape_cast %get3A_2 : vector<1x416x768xf32> to vector<416x768xf32>
    %convert_element_type3A = arith.truncf %get3A_3 : vector<416x768xf32> to vector<416x768xbf16>
    %get3A_4 = arith.constant 0 : index
    %get3A_5 = arith.constant 0 : index
    %get3A_6 = vector.load %arg3[%get3A_4, %get3A_5] : memref<384x768xf32, #tpu.memory_space<vmem>>, vector<384x768xf32>
    %convert_element_type3A_7 = arith.truncf %get3A_6 : vector<384x768xf32> to vector<384x768xbf16>
    %dot_general3A = arith.constant dense<0.000000e+00> : vector<416x384xf32>
    %dot_general3A_8 = tpu.matmul %convert_element_type3A, %convert_element_type3A_7, %dot_general3A {dimension_numbers = #tpu.dot_dimension_numbers<[1], [1], [0], [0], [0, 0, 1, 0], [], []>, transpose_lhs_hint = false} : vector<416x768xbf16>, vector<384x768xbf16>, vector<416x384xf32> -> vector<416x384xf32>
    %get3A_9 = arith.constant 0 : index
    %get3A_10 = arith.constant 0 : index
    %get3A_11 = vector.load %arg4[%get3A_9, %get3A_10] : memref<1x384xf32, #tpu.memory_space<vmem>>, vector<1x384xf32>
    %add3A = vector.broadcast %get3A_11 : vector<1x384xf32> to vector<416x384xf32>
    %add3A_12 = arith.addf %dot_general3A_8, %add3A : vector<416x384xf32>
    %mul3A = arith.constant 1.250000e-01 : f32
    %mul3A_13 = vector.broadcast %mul3A : f32 to vector<416x384xf32>
    %mul3A_14 = arith.mulf %add3A_12, %mul3A_13 : vector<416x384xf32>
    %convert_element_type3A_15 = arith.truncf %mul3A_14 : vector<416x384xf32> to vector<416x384xbf16>
    %get3A_16 = arith.constant 0 : index
    %get3A_17 = arith.constant 0 : index
    %get3A_18 = arith.constant 0 : index
    %get3A_19 = vector.load %arg5[%get3A_16, %get3A_17, %get3A_18] : memref<1x4096x384xbf16, #tpu.memory_space<vmem>>, vector<1x4096x384xbf16>
    %get3A_20 = vector.shape_cast %get3A_19 : vector<1x4096x384xbf16> to vector<4096x384xbf16>
    %get3A_21 = arith.constant 0 : index
    %get3A_22 = arith.constant 0 : index
    %get3A_23 = arith.constant 0 : index
    %get3A_24 = vector.load %arg6[%get3A_21, %get3A_22, %get3A_23] : memref<1x4096x384xbf16, #tpu.memory_space<vmem>>, vector<1x4096x384xbf16>
    %get3A_25 = vector.shape_cast %get3A_24 : vector<1x4096x384xbf16> to vector<4096x384xbf16>
    %slice3A = vector.extract_strided_slice %convert_element_type3A_15 {offsets = [0, 0], sizes = [416, 64], strides = [1, 1]} : vector<416x384xbf16> to vector<416x64xbf16>
    %slice3A_26 = vector.extract_strided_slice %get3A_20 {offsets = [0, 0], sizes = [4096, 64], strides = [1, 1]} : vector<4096x384xbf16> to vector<4096x64xbf16>
    %dot_general3A_27 = arith.constant dense<0.000000e+00> : vector<416x4096xf32>
    %dot_general3A_28 = tpu.matmul %slice3A, %slice3A_26, %dot_general3A_27 {dimension_numbers = #tpu.dot_dimension_numbers<[1], [1], [0], [0], [0, 0, 1, 0], [], []>, transpose_lhs_hint = false} : vector<416x64xbf16>, vector<4096x64xbf16>, vector<416x4096xf32> -> vector<416x4096xf32>
    %exp3A = math.exp %dot_general3A_28 : vector<416x4096xf32>
    %reduce_sum3A = arith.constant dense<0.000000e+00> : vector<416xf32>
    %reduce_sum3A_29 = vector.multi_reduction <add>, %exp3A, %reduce_sum3A [1] : vector<416x4096xf32> to vector<416xf32>
    %broadcast_in_dim3A = vector.shape_cast %reduce_sum3A_29 : vector<416xf32> to vector<416x1xf32>
    %convert_element_type3A_30 = arith.truncf %exp3A : vector<416x4096xf32> to vector<416x4096xbf16>
    %slice3A_31 = vector.extract_strided_slice %get3A_25 {offsets = [0, 0], sizes = [4096, 64], strides = [1, 1]} : vector<4096x384xbf16> to vector<4096x64xbf16>
    %dot_general3A_32 = arith.constant dense<0.000000e+00> : vector<416x64xf32>
    %dot_general3A_33 = tpu.matmul %convert_element_type3A_30, %slice3A_31, %dot_general3A_32 {dimension_numbers = #tpu.dot_dimension_numbers<[1], [0], [0], [1], [0, 0, 1, 1], [], []>, transpose_lhs_hint = false} : vector<416x4096xbf16>, vector<4096x64xbf16>, vector<416x64xf32> -> vector<416x64xf32>
    %div3A = vector.broadcast %broadcast_in_dim3A : vector<416x1xf32> to vector<416x64xf32>
    %div3A_34 = arith.divf %dot_general3A_33, %div3A : vector<416x64xf32>
    %convert_element_type3A_35 = arith.truncf %div3A_34 : vector<416x64xf32> to vector<416x64xbf16>
    %get3A_36 = arith.constant 0 : index
    %get3A_37 = arith.constant 0 : index
    %get3A_38 = vector.load %arg7[%get3A_36, %get3A_37] : memref<768x384xf32, #tpu.memory_space<vmem>>, vector<768x64xf32>
    %convert_element_type3A_39 = arith.truncf %get3A_38 : vector<768x64xf32> to vector<768x64xbf16>
    %dot_general3A_40 = arith.constant dense<0.000000e+00> : vector<416x768xf32>
    %dot_general3A_41 = tpu.matmul %convert_element_type3A_35, %convert_element_type3A_39, %dot_general3A_40 {dimension_numbers = #tpu.dot_dimension_numbers<[1], [1], [0], [0], [0, 0, 1, 0], [], []>, transpose_lhs_hint = false} : vector<416x64xbf16>, vector<768x64xbf16>, vector<416x768xf32> -> vector<416x768xf32>
    %slice3A_42 = vector.extract_strided_slice %convert_element_type3A_15 {offsets = [0, 64], sizes = [416, 64], strides = [1, 1]} : vector<416x384xbf16> to vector<416x64xbf16>
    %slice3A_43 = vector.extract_strided_slice %get3A_20 {offsets = [0, 64], sizes = [4096, 64], strides = [1, 1]} : vector<4096x384xbf16> to vector<4096x64xbf16>
    %dot_general3A_44 = arith.constant dense<0.000000e+00> : vector<416x4096xf32>
    %dot_general3A_45 = tpu.matmul %slice3A_42, %slice3A_43, %dot_general3A_44 {dimension_numbers = #tpu.dot_dimension_numbers<[1], [1], [0], [0], [0, 0, 1, 0], [], []>, transpose_lhs_hint = false} : vector<416x64xbf16>, vector<4096x64xbf16>, vector<416x4096xf32> -> vector<416x4096xf32>
    %exp3A_46 = math.exp %dot_general3A_45 : vector<416x4096xf32>
    %reduce_sum3A_47 = arith.constant dense<0.000000e+00> : vector<416xf32>
    %reduce_sum3A_48 = vector.multi_reduction <add>, %exp3A_46, %reduce_sum3A_47 [1] : vector<416x4096xf32> to vector<416xf32>
    %broadcast_in_dim3A_49 = vector.shape_cast %reduce_sum3A_48 : vector<416xf32> to vector<416x1xf32>
    %convert_element_type3A_50 = arith.truncf %exp3A_46 : vector<416x4096xf32> to vector<416x4096xbf16>
    %slice3A_51 = vector.extract_strided_slice %get3A_25 {offsets = [0, 64], sizes = [4096, 64], strides = [1, 1]} : vector<4096x384xbf16> to vector<4096x64xbf16>
    %dot_general3A_52 = arith.constant dense<0.000000e+00> : vector<416x64xf32>
    %dot_general3A_53 = tpu.matmul %convert_element_type3A_50, %slice3A_51, %dot_general3A_52 {dimension_numbers = #tpu.dot_dimension_numbers<[1], [0], [0], [1], [0, 0, 1, 1], [], []>, transpose_lhs_hint = false} : vector<416x4096xbf16>, vector<4096x64xbf16>, vector<416x64xf32> -> vector<416x64xf32>
    %div3A_54 = vector.broadcast %broadcast_in_dim3A_49 : vector<416x1xf32> to vector<416x64xf32>
    %div3A_55 = arith.divf %dot_general3A_53, %div3A_54 : vector<416x64xf32>
    %convert_element_type3A_56 = arith.truncf %div3A_55 : vector<416x64xf32> to vector<416x64xbf16>
    %get3A_57 = arith.constant 0 : index
    %get3A_58 = arith.constant 64 : index
    %get3A_59 = vector.load %arg7[%get3A_57, %get3A_58] : memref<768x384xf32, #tpu.memory_space<vmem>>, vector<768x64xf32>
    %convert_element_type3A_60 = arith.truncf %get3A_59 : vector<768x64xf32> to vector<768x64xbf16>
    %dot_general3A_61 = arith.constant dense<0.000000e+00> : vector<416x768xf32>
    %dot_general3A_62 = tpu.matmul %convert_element_type3A_56, %convert_element_type3A_60, %dot_general3A_61 {dimension_numbers = #tpu.dot_dimension_numbers<[1], [1], [0], [0], [0, 0, 1, 0], [], []>, transpose_lhs_hint = false} : vector<416x64xbf16>, vector<768x64xbf16>, vector<416x768xf32> -> vector<416x768xf32>
    %slice3A_63 = vector.extract_strided_slice %convert_element_type3A_15 {offsets = [0, 128], sizes = [416, 64], strides = [1, 1]} : vector<416x384xbf16> to vector<416x64xbf16>
    %slice3A_64 = vector.extract_strided_slice %get3A_20 {offsets = [0, 128], sizes = [4096, 64], strides = [1, 1]} : vector<4096x384xbf16> to vector<4096x64xbf16>
    %dot_general3A_65 = arith.constant dense<0.000000e+00> : vector<416x4096xf32>
    %dot_general3A_66 = tpu.matmul %slice3A_63, %slice3A_64, %dot_general3A_65 {dimension_numbers = #tpu.dot_dimension_numbers<[1], [1], [0], [0], [0, 0, 1, 0], [], []>, transpose_lhs_hint = false} : vector<416x64xbf16>, vector<4096x64xbf16>, vector<416x4096xf32> -> vector<416x4096xf32>
    %exp3A_67 = math.exp %dot_general3A_66 : vector<416x4096xf32>
    %reduce_sum3A_68 = arith.constant dense<0.000000e+00> : vector<416xf32>
    %reduce_sum3A_69 = vector.multi_reduction <add>, %exp3A_67, %reduce_sum3A_68 [1] : vector<416x4096xf32> to vector<416xf32>
    %broadcast_in_dim3A_70 = vector.shape_cast %reduce_sum3A_69 : vector<416xf32> to vector<416x1xf32>
    %convert_element_type3A_71 = arith.truncf %exp3A_67 : vector<416x4096xf32> to vector<416x4096xbf16>
    %slice3A_72 = vector.extract_strided_slice %get3A_25 {offsets = [0, 128], sizes = [4096, 64], strides = [1, 1]} : vector<4096x384xbf16> to vector<4096x64xbf16>
    %dot_general3A_73 = arith.constant dense<0.000000e+00> : vector<416x64xf32>
    %dot_general3A_74 = tpu.matmul %convert_element_type3A_71, %slice3A_72, %dot_general3A_73 {dimension_numbers = #tpu.dot_dimension_numbers<[1], [0], [0], [1], [0, 0, 1, 1], [], []>, transpose_lhs_hint = false} : vector<416x4096xbf16>, vector<4096x64xbf16>, vector<416x64xf32> -> vector<416x64xf32>
    %div3A_75 = vector.broadcast %broadcast_in_dim3A_70 : vector<416x1xf32> to vector<416x64xf32>
    %div3A_76 = arith.divf %dot_general3A_74, %div3A_75 : vector<416x64xf32>
    %convert_element_type3A_77 = arith.truncf %div3A_76 : vector<416x64xf32> to vector<416x64xbf16>
    %get3A_78 = arith.constant 0 : index
    %get3A_79 = arith.constant 128 : index
    %get3A_80 = vector.load %arg7[%get3A_78, %get3A_79] : memref<768x384xf32, #tpu.memory_space<vmem>>, vector<768x64xf32>
    %convert_element_type3A_81 = arith.truncf %get3A_80 : vector<768x64xf32> to vector<768x64xbf16>
    %dot_general3A_82 = arith.constant dense<0.000000e+00> : vector<416x768xf32>
    %dot_general3A_83 = tpu.matmul %convert_element_type3A_77, %convert_element_type3A_81, %dot_general3A_82 {dimension_numbers = #tpu.dot_dimension_numbers<[1], [1], [0], [0], [0, 0, 1, 0], [], []>, transpose_lhs_hint = false} : vector<416x64xbf16>, vector<768x64xbf16>, vector<416x768xf32> -> vector<416x768xf32>
    %slice3A_84 = vector.extract_strided_slice %convert_element_type3A_15 {offsets = [0, 192], sizes = [416, 64], strides = [1, 1]} : vector<416x384xbf16> to vector<416x64xbf16>
    %slice3A_85 = vector.extract_strided_slice %get3A_20 {offsets = [0, 192], sizes = [4096, 64], strides = [1, 1]} : vector<4096x384xbf16> to vector<4096x64xbf16>
    %dot_general3A_86 = arith.constant dense<0.000000e+00> : vector<416x4096xf32>
    %dot_general3A_87 = tpu.matmul %slice3A_84, %slice3A_85, %dot_general3A_86 {dimension_numbers = #tpu.dot_dimension_numbers<[1], [1], [0], [0], [0, 0, 1, 0], [], []>, transpose_lhs_hint = false} : vector<416x64xbf16>, vector<4096x64xbf16>, vector<416x4096xf32> -> vector<416x4096xf32>
    %exp3A_88 = math.exp %dot_general3A_87 : vector<416x4096xf32>
    %reduce_sum3A_89 = arith.constant dense<0.000000e+00> : vector<416xf32>
    %reduce_sum3A_90 = vector.multi_reduction <add>, %exp3A_88, %reduce_sum3A_89 [1] : vector<416x4096xf32> to vector<416xf32>
    %broadcast_in_dim3A_91 = vector.shape_cast %reduce_sum3A_90 : vector<416xf32> to vector<416x1xf32>
    %convert_element_type3A_92 = arith.truncf %exp3A_88 : vector<416x4096xf32> to vector<416x4096xbf16>
    %slice3A_93 = vector.extract_strided_slice %get3A_25 {offsets = [0, 192], sizes = [4096, 64], strides = [1, 1]} : vector<4096x384xbf16> to vector<4096x64xbf16>
    %dot_general3A_94 = arith.constant dense<0.000000e+00> : vector<416x64xf32>
    %dot_general3A_95 = tpu.matmul %convert_element_type3A_92, %slice3A_93, %dot_general3A_94 {dimension_numbers = #tpu.dot_dimension_numbers<[1], [0], [0], [1], [0, 0, 1, 1], [], []>, transpose_lhs_hint = false} : vector<416x4096xbf16>, vector<4096x64xbf16>, vector<416x64xf32> -> vector<416x64xf32>
    %div3A_96 = vector.broadcast %broadcast_in_dim3A_91 : vector<416x1xf32> to vector<416x64xf32>
    %div3A_97 = arith.divf %dot_general3A_95, %div3A_96 : vector<416x64xf32>
    %convert_element_type3A_98 = arith.truncf %div3A_97 : vector<416x64xf32> to vector<416x64xbf16>
    %get3A_99 = arith.constant 0 : index
    %get3A_100 = arith.constant 192 : index
    %get3A_101 = vector.load %arg7[%get3A_99, %get3A_100] : memref<768x384xf32, #tpu.memory_space<vmem>>, vector<768x64xf32>
    %convert_element_type3A_102 = arith.truncf %get3A_101 : vector<768x64xf32> to vector<768x64xbf16>
    %dot_general3A_103 = arith.constant dense<0.000000e+00> : vector<416x768xf32>
    %dot_general3A_104 = tpu.matmul %convert_element_type3A_98, %convert_element_type3A_102, %dot_general3A_103 {dimension_numbers = #tpu.dot_dimension_numbers<[1], [1], [0], [0], [0, 0, 1, 0], [], []>, transpose_lhs_hint = false} : vector<416x64xbf16>, vector<768x64xbf16>, vector<416x768xf32> -> vector<416x768xf32>
    %slice3A_105 = vector.extract_strided_slice %convert_element_type3A_15 {offsets = [0, 256], sizes = [416, 64], strides = [1, 1]} : vector<416x384xbf16> to vector<416x64xbf16>
    %slice3A_106 = vector.extract_strided_slice %get3A_20 {offsets = [0, 256], sizes = [4096, 64], strides = [1, 1]} : vector<4096x384xbf16> to vector<4096x64xbf16>
    %dot_general3A_107 = arith.constant dense<0.000000e+00> : vector<416x4096xf32>
    %dot_general3A_108 = tpu.matmul %slice3A_105, %slice3A_106, %dot_general3A_107 {dimension_numbers = #tpu.dot_dimension_numbers<[1], [1], [0], [0], [0, 0, 1, 0], [], []>, transpose_lhs_hint = false} : vector<416x64xbf16>, vector<4096x64xbf16>, vector<416x4096xf32> -> vector<416x4096xf32>
    %exp3A_109 = math.exp %dot_general3A_108 : vector<416x4096xf32>
    %reduce_sum3A_110 = arith.constant dense<0.000000e+00> : vector<416xf32>
    %reduce_sum3A_111 = vector.multi_reduction <add>, %exp3A_109, %reduce_sum3A_110 [1] : vector<416x4096xf32> to vector<416xf32>
    %broadcast_in_dim3A_112 = vector.shape_cast %reduce_sum3A_111 : vector<416xf32> to vector<416x1xf32>
    %convert_element_type3A_113 = arith.truncf %exp3A_109 : vector<416x4096xf32> to vector<416x4096xbf16>
    %slice3A_114 = vector.extract_strided_slice %get3A_25 {offsets = [0, 256], sizes = [4096, 64], strides = [1, 1]} : vector<4096x384xbf16> to vector<4096x64xbf16>
    %dot_general3A_115 = arith.constant dense<0.000000e+00> : vector<416x64xf32>
    %dot_general3A_116 = tpu.matmul %convert_element_type3A_113, %slice3A_114, %dot_general3A_115 {dimension_numbers = #tpu.dot_dimension_numbers<[1], [0], [0], [1], [0, 0, 1, 1], [], []>, transpose_lhs_hint = false} : vector<416x4096xbf16>, vector<4096x64xbf16>, vector<416x64xf32> -> vector<416x64xf32>
    %div3A_117 = vector.broadcast %broadcast_in_dim3A_112 : vector<416x1xf32> to vector<416x64xf32>
    %div3A_118 = arith.divf %dot_general3A_116, %div3A_117 : vector<416x64xf32>
    %convert_element_type3A_119 = arith.truncf %div3A_118 : vector<416x64xf32> to vector<416x64xbf16>
    %get3A_120 = arith.constant 0 : index
    %get3A_121 = arith.constant 256 : index
    %get3A_122 = vector.load %arg7[%get3A_120, %get3A_121] : memref<768x384xf32, #tpu.memory_space<vmem>>, vector<768x64xf32>
    %convert_element_type3A_123 = arith.truncf %get3A_122 : vector<768x64xf32> to vector<768x64xbf16>
    %dot_general3A_124 = arith.constant dense<0.000000e+00> : vector<416x768xf32>
    %dot_general3A_125 = tpu.matmul %convert_element_type3A_119, %convert_element_type3A_123, %dot_general3A_124 {dimension_numbers = #tpu.dot_dimension_numbers<[1], [1], [0], [0], [0, 0, 1, 0], [], []>, transpose_lhs_hint = false} : vector<416x64xbf16>, vector<768x64xbf16>, vector<416x768xf32> -> vector<416x768xf32>
    %slice3A_126 = vector.extract_strided_slice %convert_element_type3A_15 {offsets = [0, 320], sizes = [416, 64], strides = [1, 1]} : vector<416x384xbf16> to vector<416x64xbf16>
    %slice3A_127 = vector.extract_strided_slice %get3A_20 {offsets = [0, 320], sizes = [4096, 64], strides = [1, 1]} : vector<4096x384xbf16> to vector<4096x64xbf16>
    %dot_general3A_128 = arith.constant dense<0.000000e+00> : vector<416x4096xf32>
    %dot_general3A_129 = tpu.matmul %slice3A_126, %slice3A_127, %dot_general3A_128 {dimension_numbers = #tpu.dot_dimension_numbers<[1], [1], [0], [0], [0, 0, 1, 0], [], []>, transpose_lhs_hint = false} : vector<416x64xbf16>, vector<4096x64xbf16>, vector<416x4096xf32> -> vector<416x4096xf32>
    %exp3A_130 = math.exp %dot_general3A_129 : vector<416x4096xf32>
    %reduce_sum3A_131 = arith.constant dense<0.000000e+00> : vector<416xf32>
    %reduce_sum3A_132 = vector.multi_reduction <add>, %exp3A_130, %reduce_sum3A_131 [1] : vector<416x4096xf32> to vector<416xf32>
    %broadcast_in_dim3A_133 = vector.shape_cast %reduce_sum3A_132 : vector<416xf32> to vector<416x1xf32>
    %convert_element_type3A_134 = arith.truncf %exp3A_130 : vector<416x4096xf32> to vector<416x4096xbf16>
    %slice3A_135 = vector.extract_strided_slice %get3A_25 {offsets = [0, 320], sizes = [4096, 64], strides = [1, 1]} : vector<4096x384xbf16> to vector<4096x64xbf16>
    %dot_general3A_136 = arith.constant dense<0.000000e+00> : vector<416x64xf32>
    %dot_general3A_137 = tpu.matmul %convert_element_type3A_134, %slice3A_135, %dot_general3A_136 {dimension_numbers = #tpu.dot_dimension_numbers<[1], [0], [0], [1], [0, 0, 1, 1], [], []>, transpose_lhs_hint = false} : vector<416x4096xbf16>, vector<4096x64xbf16>, vector<416x64xf32> -> vector<416x64xf32>
    %div3A_138 = vector.broadcast %broadcast_in_dim3A_133 : vector<416x1xf32> to vector<416x64xf32>
    %div3A_139 = arith.divf %dot_general3A_137, %div3A_138 : vector<416x64xf32>
    %convert_element_type3A_140 = arith.truncf %div3A_139 : vector<416x64xf32> to vector<416x64xbf16>
    %get3A_141 = arith.constant 0 : index
    %get3A_142 = arith.constant 320 : index
    %get3A_143 = vector.load %arg7[%get3A_141, %get3A_142] : memref<768x384xf32, #tpu.memory_space<vmem>>, vector<768x64xf32>
    %convert_element_type3A_144 = arith.truncf %get3A_143 : vector<768x64xf32> to vector<768x64xbf16>
    %dot_general3A_145 = arith.constant dense<0.000000e+00> : vector<416x768xf32>
    %dot_general3A_146 = tpu.matmul %convert_element_type3A_140, %convert_element_type3A_144, %dot_general3A_145 {dimension_numbers = #tpu.dot_dimension_numbers<[1], [1], [0], [0], [0, 0, 1, 0], [], []>, transpose_lhs_hint = false} : vector<416x64xbf16>, vector<768x64xbf16>, vector<416x768xf32> -> vector<416x768xf32>
    %add3A_147 = arith.constant 0.000000e+00 : f32
    %add3A_148 = vector.broadcast %add3A_147 : f32 to vector<416x768xf32>
    %add3A_149 = arith.addf %add3A_148, %dot_general3A_41 : vector<416x768xf32>
    %add3A_150 = arith.addf %add3A_149, %dot_general3A_62 : vector<416x768xf32>
    %add3A_151 = arith.addf %add3A_150, %dot_general3A_83 : vector<416x768xf32>
    %add3A_152 = arith.addf %add3A_151, %dot_general3A_104 : vector<416x768xf32>
    %add3A_153 = arith.addf %add3A_152, %dot_general3A_125 : vector<416x768xf32>
    %add3A_154 = arith.addf %add3A_153, %dot_general3A_146 : vector<416x768xf32>
    %eq3A = arith.constant 0 : i32
    %eq3A_155 = arith.cmpi eq, %arg1, %eq3A : i32
    %convert_element_type3A_156 = arith.extui %eq3A_155 : i1 to i32
    %cond3A = arith.constant 0 : i32
    %cond3A_157 = arith.cmpi ne, %convert_element_type3A_156, %cond3A : i32
    scf.if %cond3A_157 {
      %get3A_167 = arith.constant 0 : index
      %get3A_168 = arith.constant 0 : index
      %get3A_169 = vector.load %arg8[%get3A_167, %get3A_168] : memref<1x768xf32, #tpu.memory_space<vmem>>, vector<1x768xf32>
      %add3A_170 = vector.broadcast %get3A_169 : vector<1x768xf32> to vector<416x768xf32>
      %add3A_171 = arith.addf %add3A_154, %add3A_170 : vector<416x768xf32>
      %swap3A = arith.constant 0 : index
      %swap3A_172 = arith.constant 0 : index
      %swap3A_173 = vector.load %arg10[%swap3A, %swap3A_172] : memref<416x768xf32, #tpu.memory_space<vmem>>, vector<416x768xf32>
      tpu.vector_store %arg10[%swap3A, %swap3A_172], %add3A_171 {strides = array<i32>} : memref<416x768xf32, #tpu.memory_space<vmem>>, vector<416x768xf32>,
    } else {
    }
    %gt3A = arith.constant 0 : i32
    %gt3A_158 = arith.cmpi sgt, %arg1, %gt3A : i32
    %convert_element_type3A_159 = arith.extui %gt3A_158 : i1 to i32
    %cond3A_160 = arith.constant 0 : i32
    %cond3A_161 = arith.cmpi ne, %convert_element_type3A_159, %cond3A_160 : i32
    scf.if %cond3A_161 {
      %get3A_167 = arith.constant 0 : index
      %get3A_168 = arith.constant 0 : index
      %get3A_169 = vector.load %arg10[%get3A_167, %get3A_168] : memref<416x768xf32, #tpu.memory_space<vmem>>, vector<416x768xf32>
      %add3A_170 = arith.addf %get3A_169, %add3A_154 : vector<416x768xf32>
      %swap3A = arith.constant 0 : index
      %swap3A_171 = arith.constant 0 : index
      %swap3A_172 = vector.load %arg10[%swap3A, %swap3A_171] : memref<416x768xf32, #tpu.memory_space<vmem>>, vector<416x768xf32>
      tpu.vector_store %arg10[%swap3A, %swap3A_171], %add3A_170 {strides = array<i32>} : memref<416x768xf32, #tpu.memory_space<vmem>>, vector<416x768xf32>,
    } else {
    }
    %eq3A_162 = arith.constant 1 : i32
    %eq3A_163 = arith.cmpi eq, %arg1, %eq3A_162 : i32
    %convert_element_type3A_164 = arith.extui %eq3A_163 : i1 to i32
    %cond3A_165 = arith.constant 0 : i32
    %cond3A_166 = arith.cmpi ne, %convert_element_type3A_164, %cond3A_165 : i32
    scf.if %cond3A_166 {
      %get3A_167 = arith.constant 0 : index
      %get3A_168 = arith.constant 0 : index
      %get3A_169 = vector.load %arg10[%get3A_167, %get3A_168] : memref<416x768xf32, #tpu.memory_space<vmem>>, vector<416x768xf32>
      %swap3A = arith.constant 0 : index
      %swap3A_170 = arith.constant 0 : index
      %swap3A_171 = arith.constant 0 : index
      %swap3A_172 = vector.load %arg9[%swap3A, %swap3A_170, %swap3A_171] : memref<1x416x768xf32, #tpu.memory_space<vmem>>, vector<1x416x768xf32>
      %swap3A_173 = vector.shape_cast %swap3A_172 : vector<1x416x768xf32> to vector<416x768xf32>
      %swap3A_174 = vector.shape_cast %get3A_169 : vector<416x768xf32> to vector<1x416x768xf32>
      tpu.vector_store %arg9[%swap3A, %swap3A_170, %swap3A_171], %swap3A_174 {strides = array<i32>} : memref<1x416x768xf32, #tpu.memory_space<vmem>>, vector<1x416x768xf32>,
    } else {
    }
    return
  }
  func.func @transform_0(%arg0: i32, %arg1: i32) -> (i32, i32, i32) {
    %c0_i32 = arith.constant 0 : i32
    %c0_i32_0 = arith.constant 0 : i32
    %c0_i32_1 = arith.constant 0 : i32
    return %arg0, %c0_i32, %c0_i32_0 : i32, i32, i32
  }
  func.func @transform_1(%arg0: i32, %arg1: i32) -> (i32, i32) {
    %c0_i32 = arith.constant 0 : i32
    %c0_i32_0 = arith.constant 0 : i32
    return %arg1, %c0_i32 : i32, i32
  }
  func.func @transform_2(%arg0: i32, %arg1: i32) -> (i32, i32) {
    %c0_i32 = arith.constant 0 : i32
    %c0_i32_0 = arith.constant 0 : i32
    return %c0_i32, %arg1 : i32, i32
  }
  func.func @transform_3(%arg0: i32, %arg1: i32) -> (i32, i32, i32) {
    %c0_i32 = arith.constant 0 : i32
    %c0_i32_0 = arith.constant 0 : i32
    return %arg0, %c0_i32, %arg1 : i32, i32, i32
  }
  func.func @transform_4(%arg0: i32, %arg1: i32) -> (i32, i32, i32) {
    %add3A = arith.constant 2 : i32
    %add3A_0 = arith.addi %arg1, %add3A : i32
    %c0_i32 = arith.constant 0 : i32
    %c0_i32_1 = arith.constant 0 : i32
    return %arg0, %c0_i32, %add3A_0 : i32, i32, i32
  }
  func.func @transform_5(%arg0: i32, %arg1: i32) -> (i32, i32) {
    %c0_i32 = arith.constant 0 : i32
    %c0_i32_0 = arith.constant 0 : i32
    return %c0_i32, %arg1 : i32, i32
  }
  func.func @transform_6(%arg0: i32, %arg1: i32) -> (i32, i32) {
    %c0_i32 = arith.constant 0 : i32
    %c0_i32_0 = arith.constant 0 : i32
    %c0_i32_1 = arith.constant 0 : i32
    return %c0_i32, %c0_i32_0 : i32, i32
  }
  func.func @transform_7(%arg0: i32, %arg1: i32) -> (i32, i32, i32) {
    %c0_i32 = arith.constant 0 : i32
    %c0_i32_0 = arith.constant 0 : i32
    %c0_i32_1 = arith.constant 0 : i32
    return %arg0, %c0_i32, %c0_i32_0 : i32, i32, i32
  }
}

</mosaic_0001>

<sc_bundles>
// kernel: kernel.10.cloned.1.call-start
scs
__scs_entry_jumppad:
0x0: {  	(pc) =	sbr.rel $0x88, $3  }
0x1: {  	(tag) =	ssettag $0x0;
	lr =	simm.s32 $0x1  }
0x2: {  	[smem:$0x3F99] =	sst lr;
	_ =	strace $0xD0000000  }
0x3: {  	_ = 	snop  }
0x4: {  	_ = 	snop  }
0x5: {  	_ = 	snop  }
0x6: {  	_ = 	snop  }
0x7: {  	_ = 	snop  }
__scs_overlays_trampoline_lowered:
0x8: {  	[smem:$0x3FA8] =	sst s0  }
0x9: {  	[smem:$0x3FA9] =	sst s1  }
0xa: {  	[smem:$0x3FAA] =	sst s2  }
0xb: {  	[smem:$0x3FAB] =	sst s3  }
0xc: {  	[smem:$0x3FAC] =	sst s4  }
0xd: {  	[smem:$0x3FAD] =	sst s5  }
0xe: {  	[smem:$0x3FAE] =	sst s6  }
0xf: {  	[smem:$0x3FAF] =	sst s7  }
0x10: {  	[smem:$0x3FB0] =	sst s8  }
0x11: {  	[smem:$0x3FB1] =	sst s9;
	s0 =	simm.s32 @!p0 $0x0  }
0x12: {  	s1 =	sld [smem:$0x3F97];
	s0 =	simm.s32 @p0 $0x1  }
0x13: {  	[smem:$0x3FB2] =	sst s0;
	s0 =	simm.s32 @!p1 $0x0  }
0x14: {  	s2 =	sld [smem:$0x3F96];
	s0 =	simm.s32 @p1 $0x1  }
0x15: {  	[smem:$0x3FB3] =	sst s0;
	s0 =	simm.s32 @!p2 $0x0  }
0x16: {  	s3 =	sld [smem:$0x3FDB];
	s0 =	simm.s32 @p2 $0x1  }
0x17: {  	s4 =	simm.s32 $0x1BF5;
	[smem:$0x3FB5] =	sst s0  }
0x18: {  	s0 =	sld [smem:$0x3F98];
	_ =	swait.ge [sflag:s4], $0x0  }
0x19: {  	s7 =	sld [smem:$0x3F99]  }
0x1a: {  	s8 =	sadd.s32 $0xFFFFE003, lr  }
0x1b: {  	s9 =	sadd.s32 $0xFFFFFEF7, lr;
	s5 =	simm.s32 $0xFFFFFFFF;
	p2 =	slt.u32 s8, $0xFFFFF086  }
0x1c: {  	p1 =	slt.u32 s9, $0xF7A;
	s5 =	simm.s32 @!p2 $0x0  }
0x1d: {  	s5 =	simm.s32 @p1 $0x1;
	p0 =	seq.s32 s7, s2  }
0x1e: {  	s7 =	smul.u32 @!p0 $0xF7A, s2;
	p2 =	seq.s32 @!p0 s5, $0x0  }
0x1f: {  	s9 =	smul.u32 $0xF7A, s1;
	s8 =	simm.s32 @!p0 $0x1BF5;
	p2 =	por !p2, p0  }
0x20: {  	[sflag:s8] =	ssyncset.s32 @!p0 $0xFFFFF086;
	s6 =	sadd.s32 @!p0 s3, s7;
	s7 =	simm.s32 @!p0 $0x108  }
0x21: {  	s3 =	sadd.s32 s3, s9;
	s6 =	sadd.s32 @!p0 $0x88, s6;
	s7 =	simm.s32 @p2 $0x1082  }
0x22: {  	[simem:s7], [sflag:s8] =	dma.local @!p0 [hbm:s6], $0xF7A  }
0x23: {  	s9 =	sor.u32 $0xD0000000, s2;
	s6 =	simm.s32 $0x108;
	_ =	swait.ge @!p0 [sflag:s8], $0x0  }
0x24: {  	s3 =	sadd.s32 $0x88, s3;
	s6 =	simm.s32 @!p1 $0x1082;
	[sflag:s4] =	ssyncset.s32 $0xFFFFF086  }
0x25: {  	[simem:s6], [sflag:s4] =	dma.local [hbm:s3], $0xF7A  }
0x26: {  	[smem:$0x3F99] =	sst s1;
	(tag) =	ssettag s2;
	_ =	strace s9  }
0x27: {  	s1 =	sld [smem:$0x3FA9]  }
0x28: {  	s2 =	sld [smem:$0x3FAA]  }
0x29: {  	s4 =	sld [smem:$0x3FAC]  }
0x2a: {  	p0 =	seq.s32 s5, $0x0;
	s5 =	sld [smem:$0x3FAD]  }
0x2b: {  	s6 =	sld [smem:$0x3FAE]  }
0x2c: {  	s7 =	sld [smem:$0x3FAF]  }
0x2d: {  	s3 =	simm.s32 $0x108;
	s8 =	sld [smem:$0x3FB0]  }
0x2e: {  	s3 =	simm.s32 @!p0 $0x1082;
	s9 =	sld [smem:$0x3FB1]  }
0x2f: {  	lr =	sadd.s32 s0, s3;
	s0 =	sld [smem:$0x3FA8]  }
0x30: {  	s3 =	sld [smem:$0x3FAB]  }
0x31: {  	[smem:$0x3FB4] =	sst s10  }
0x32: {  	s10 =	sld [smem:$0x3FB2];
	_ =	sdelay $0x3  }
0x33: {  	p0 =	seq.s32 s10, $0x1;
	s10 =	sld [smem:$0x3FB4];
	_ =	sdelay $0x3  }
0x34: {  	[smem:$0x3FB4] =	sst s10  }
0x35: {  	s10 =	sld [smem:$0x3FB3];
	_ =	sdelay $0x3  }
0x36: {  	p1 =	seq.s32 s10, $0x1;
	s10 =	sld [smem:$0x3FB4];
	_ =	sdelay $0x3  }
0x37: {  	[smem:$0x3FB4] =	sst s10  }
0x38: {  	s10 =	sld [smem:$0x3FB5]  }
0x39: {  	_ = 	snop;
	(pc) =	sbr.ind lr, $3  }
0x3a: {  	_ = 	snop  }
0x3b: {  	_ = 	snop  }
0x3c: {  	p2 =	seq.s32 s10, $0x1;
	s10 =	sld [smem:$0x3FB4]  }
0x3d: {  	_ =	shalt  }
0x3e: {  	_ =	shalt  }
0x3f: {  	_ =	shalt  }
0x40: {  	_ =	shalt  }
0x41: {  	_ =	shalt  }
0x42: {  	_ =	shalt  }
0x43: {  	_ =	shalt  }
0x44: {  	_ =	shalt  }
0x45: {  	_ =	shalt  }
0x46: {  	_ =	shalt  }
0x47: {  	_ =	shalt  }
0x48: {  	_ =	shalt  }
0x49: {  	_ =	shalt  }
0x4a: {  	_ =	shalt  }
0x4b: {  	_ =	shalt  }
0x4c: {  	_ =	shalt  }
0x4d: {  	_ =	shalt  }
0x4e: {  	_ =	shalt  }
0x4f: {  	_ =	shalt  }
0x50: {  	_ =	shalt  }
0x51: {  	_ =	shalt  }
0x52: {  	_ =	shalt  }
0x53: {  	_ =	shalt  }
0x54: {  	_ =	shalt  }
0x55: {  	_ =	shalt  }
0x56: {  	_ =	shalt  }
0x57: {  	_ =	shalt  }
0x58: {  	_ =	shalt  }
0x59: {  	_ =	shalt  }
0x5a: {  	_ =	shalt  }
0x5b: {  	_ =	shalt  }
0x5c: {  	_ =	shalt  }
0x5d: {  	_ =	shalt  }
0x5e: {  	_ =	shalt  }
0x5f: {  	_ =	shalt  }
0x60: {  	_ =	shalt  }
0x61: {  	_ =	shalt  }
0x62: {  	_ =	shalt  }
0x63: {  	_ =	shalt  }
0x64: {  	_ =	shalt  }
0x65: {  	_ =	shalt  }
0x66: {  	_ =	shalt  }
0x67: {  	_ =	shalt  }
0x68: {  	_ =	shalt  }
0x69: {  	_ =	shalt  }
0x6a: {  	_ =	shalt  }
0x6b: {  	_ =	shalt  }
0x6c: {  	_ =	shalt  }
0x6d: {  	_ =	shalt  }
0x6e: {  	_ =	shalt  }
0x6f: {  	_ =	shalt  }
0x70: {  	_ =	shalt  }
0x71: {  	_ =	shalt  }
0x72: {  	_ =	shalt  }
0x73: {  	_ =	shalt  }
0x74: {  	_ =	shalt  }
0x75: {  	_ =	shalt  }
0x76: {  	_ =	shalt  }
0x77: {  	_ =	shalt  }
0x78: {  	_ =	shalt  }
0x79: {  	_ =	shalt  }
0x7a: {  	_ =	shalt  }
0x7b: {  	_ =	shalt  }
0x7c: {  	_ =	shalt  }
0x7d: {  	_ =	shalt  }
0x7e: {  	_ =	shalt  }
0x7f: {  	_ =	shalt  }
0x80: {  	_ =	shalt  }
0x81: {  	_ =	shalt  }
0x82: {  	_ =	shalt  }
0x83: {  	_ =	shalt  }
0x84: {  	_ =	shalt  }
0x85: {  	_ =	shalt  }
0x86: {  	_ =	shalt  }
0x87: {  	_ =	shalt  }
.Lfunc_end0:
.L_simem_size_0:
called_computation.1_lowered:
.L_overlay_start_0:
0x88: {  	s2 =	sld [smem:$0x3FD9]  }
0x89: {  	s3 =	sld [smem:$0x3FFE];
	_ =	sdelay $0x1  }
0x8a: {  	s1 =	srdreg.scid  }
0x8b: {  	s0 =	sand.u32 $0x1, s1  }
0x8c: {  	s17 =	sshll.u32 s0, $0xA;
	s2 =	sadd.s32 s3, s2  }
0x8d: {  	s2 =	sadd.s32 s2, s17  }
0x8e: {  	[smem:$0x3FC0] =	sst s2  }
0x8f: {  	_ = 	snop  }
0x90: {  	s2 =	sld [smem:$0x3FD0];
	(tm) =	ssettm $0x1  }
0x91: {  	s18 =	sld [smem:$0x3FFB];
	_ =	sdelay $0x3  }
0x92: {  	_ =	strace s18  }
0x93: {  	s3 =	sld [smem:$0x3FFC];
	_ =	sdelay $0x3  }
0x94: {  	_ =	strace s3  }
0x95: {  	s3 =	sld [smem:$0x3FFD];
	_ =	sdelay $0x3  }
0x96: {  	_ =	strace s3  }
0x97: {  	_ =	strace $0x8FFFFFFF  }
0x98: {  	s19 =	sld [smem:$0x3FDB];
	_ =	sdelay $0x1  }
0x99: {  	s4 =	simm.s32 $_scs_section_size  }
0x9a: {  	s5 =	simm.s32 $_size__tile_overlayer_lowered;
	s6 =	simm.s32 $_tile_overlayer_lowered  }
0x9b: {  	s22 =	simm.s32 $0x1BFF;
	s21 =	sshll.u32 s6, $0x1;
	s3 =	sadd.s32 s4, s19  }
0x9c: {  	s7 =	simm.s32 $0x0;
	s20 =	sshll.u32 s5, $0x1;
	s5 =	sadd.s32 s21, s3  }
0x9d: {  	[timem:s7], [sflag:s22] =	dma.local [hbm:s5], s20  }
0x9e: {  	_ =	swait.ge [sflag:s22], s20  }
0x9f: {  	s4 =	ssub.s32 $0x0, s20;
	[sflag:s22] =	ssyncset.done $0x0  }
0xa0: {  	[sflag:s22] =	ssyncadd.s32 s4;
	_ =	sdelay $0x1  }
0xa1: {  	s23 =	simm.s32 $0x1B8B  }
0xa2: {  	_ =	swait.ge [sflag:s23], $0x1  }
0xa3: {  	[sflag:s23] =	ssyncset.done $0x0  }
0xa4: {  	s25 =	simm.s32 $0x1B8E;
	s24 =	sld [smem:$0x3FFE];
	[sflag:s23] =	ssyncadd.s32 $0xFFFFFFFF  }
0xa5: {  	s26 =	simm.s32 $execute0_lowered;
	[smem:$0x3FD2] =	sst s25  }
0xa6: {  	s5 =	sshll.u32 s26, $0x1;
	_ =	strace $0x80000049;
	[dreg:$0x1] =	wrdreg $0xFFFFFFFF  }
0xa7: {  	s28 =	simm.s32 $_size_execute0_lowered;
	s3 =	sadd.s32 s3, s5;
	[dreg:$0x0] =	wrdreg $0x0  }
0xa8: {  	s5 =	sshll.u32 s28, $0x1;
	[dreg:$0x2] =	wrdreg s3  }
0xa9: {  	[dreg:$0x3] =	wrdreg s5  }
0xaa: {  	[dreg:$0x4] =	wrdreg $0xC0  }
0xab: {  	_ =	task [dreg:s7], $0x5FFFF  }
0xac: {  	[dreg:$0x1] =	wrdreg $0xFFFFFFFF  }
0xad: {  	[dreg:$0x0] =	wrdreg $0x60  }
0xae: {  	[dreg:$0x2] =	wrdreg s2  }
0xaf: {  	[dreg:$0x3] =	wrdreg s24  }
0xb0: {  	[dreg:$0x4] =	wrdreg $0x9  }
0xb1: {  	_ =	task.clear_ibuf [dreg:s7], $0x5FFFF;
	_ =	strace $0x90000049  }
0xb2: {  	s29 =	simm.s32 $0x9;
	_ =	strace $0x8000004B  }
0xb3: {  	_ =	swait.ge [sflag:s29], $0x1  }
0xb4: {  	[sflag:s29] =	ssyncadd.s32 $0xFFFFFFFF  }
0xb5: {  	_ =	strace $0x9000004B  }
0xb6: {  	_ =	sfence  }
0xb7: {  	s30 =	sld [smem:$0x0];
	_ =	sdelay $0x2  }
0xb8: {  	s31 =	sshll.u32 s1, $0xD;
	s1 =	sshrl.u32 s1, $0x2  }
0xb9: {  	s3 =	sand.u32 $0x4000, s31;
	s1 =	sadd.s32 s1, s30  }
0xba: {  	s0 =	sor.u32 s3, s0;
	s1 =	sshll.u32 s1, $0x11  }
0xbb: {  	s0 =	sor.u32 s1, s0  }
0xbc: {  	s0 =	sadd.s32 $0x8F2B, s0  }
0xbd: {  	[sflag:s0] =	ssyncadd.remote.s32 $0x1  }
0xbe: {  	_ =	sfence.sel $0xFFFF  }
0xbf: {  	[dreg:$0x0] =	wrdreg $0xFFFFFFFF;
	(pc) =	sbr.abs _section_cstart, $3  }
0xc0: {  	[dreg:$0x1] =	wrdreg $0xFFFFFFFF  }
0xc1: {  	_ =	task.clear_ibuf [dreg:s7], $0x2FFFF;
	_ =	strace $0x9FFFFFFF  }
0xc2: {  	(tm) =	ssettm $0x7FFFFFFF  }
0xc3: {  	_ =	shalt  }
tec
execute0_lowered:
.L_overlay_start_1:
0x0: {  	(tag) =	ssettag $0x1  }
0x1: {  	s1 =	rddreg [dreg:$0x0]  }
0x2: {  	s4 =	rddreg [dreg:$0x1]  }
0x3: {  	s0 =	rddreg [dreg:$0x2];
	s3 =	simm.s32 $0x0;
	s5 =	srdreg.scid  }
0x4: {  	s2 =	stileid.u32;
	s13 =	simm.s32 $0x2;
	s14 =	simm.s32 $0x880  }
0x5: {  	s15 =	simm.s32 $0x1080;
	s16 =	simm.s32 $0x1880;
	s17 =	simm.s32 $0x2080  }
0x6: {  	s18 =	simm.s32 $0x2880;
	s19 =	simm.s32 $0x3;
	[smem:$0x7FF] =	sst s3  }
0x7: {  	s9 =	sadd.s32 $0x1C00, s4;
	s5 =	sand.u32 $0x1, s5;
	s6 =	sshll.u32 s2, $0x1  }
0x8: {  	s8 =	sadd.s32 $0x17600, s4;
	p0 =	sgt.u32 s2, $0x9;
	_ =	strace $0x8000004A  }
0x9: {  	s28 =	ssub.s32 $0x2, s5;
	s5 =	sor.u32 s5, s6;
	s6 =	sadd.s32 $0x100, s1  }
0xa: {  	s29 =	sshrl.u32 s28, $0x1;
	s7 =	sshll.u32 s5, $0x4;
	s10 =	smul.u32 $0x600, s5  }
0xb: {  	s30 =	sor.u32 $0x20, s5;
	s11 =	ssub.s32 s28, s29;
	s4 =	sadd.s32 s8, s7  }
0xc: {  	v2 =	vlaneseq.u32;
	s31 =	sshll.u32 s30, $0x4;
	s12 =	smul.u32 $0x600, s30;
	s7 =	sadd.s32 $0x200, s1  }
0xd: {  	vm0 =	vmmov $0xffff;
	v1 =	vshrl.u32 v2, $0x3;
	v0 =	vand.u32 $0x7, v2;
	s5 =	sadd.s32 s9, s10;
	s8 =	sadd.s32 s8, s31;
	s10 =	smax.u32 s11, $0x1  }
0xe: {  	v2 =	vor.u32 $0x8, v2;
	v1 =	vmul.u32 $0x8, v1;
	vm1 =	vmmov @!p0 $0xffff;
	s11 =	simm.s32 $0x80;
	s9 =	sadd.s32 s9, s12;
	s12 =	simm.s32 $0x1  }
.LBB2_1:
0xf: {  	[tilespmem:s3], [sflag:$0x1] =	stream.linear.gather [hbm4b:s4+s3], $0x80, $0x38;
	[tilespmem:$0x6100] =	vst v63  }
0x10: {  	_ = 	snop  }
0x11: {  	[tilespmem:s11], [sflag:$0x2] =	stream.linear.gather [hbm4b:s5+s3], $0x3000, $0x38;
	[tilespmem:$0x6100] =	vst v63  }
0x12: {  	_ =	swait.ge [sflag:s12], $0x80  }
0x13: {  	[sflag:s12] =	ssyncset.done $0x0  }
0x14: {  	[sflag:s12] =	ssyncadd.s32 $0xFFFFFF80  }
0x15: {  	_ =	swait.ge [sflag:s13], $0x3000  }
0x16: {  	[sflag:s13] =	ssyncset.done $0x0  }
0x17: {  	[sflag:s13] =	ssyncadd.s32 $0xFFFFD000  }
0x18: {  	v3 =	vld [tilespmem:$0x0];
	_ =	sdelay $0x4  }
0x19: {  	v4 =	vshrl.u32 v3, $0x3  }
0x1a: {  	v4 =	vmul.u32 $0x30, v4  }
0x1b: {  	v3 =	vand.u32 $0x7, v3  }
0x1c: {  	v3 =	vor.u32 v3, v4  }
0x1d: {  	v4 =	vperm.xlane v3, v0;
	_ =	sdelay $0x1  }
0x1e: {  	v4 =	vadd.s32 v1, v4;
	_ =	sdelay $0x3  }
0x1f: {  	v3 =	vperm.xlane v3, v2  }
0x20: {  	[hbm4b:s1+s3] =	stream.indirect_vreg.scatter [tilespmem:s11], [sflag:$0x3], $0x80, v4, vm0, $0xb8;
	[tilespmem:$0x6100] =	vst v63  }
0x21: {  	v3 =	vadd.s32 v1, v3  }
0x22: {  	[hbm4b:s6+s3] =	stream.indirect_vreg.scatter [tilespmem:s14], [sflag:$0x3], $0x80, v4, vm0, $0xb8;
	[tilespmem:$0x6100] =	vst v63  }
0x23: {  	_ = 	snop  }
0x24: {  	[hbm4b:s7+s3] =	stream.indirect_vreg.scatter [tilespmem:s15], [sflag:$0x3], $0x80, v4, vm0, $0xb8;
	[tilespmem:$0x6100] =	vst v63  }
0x25: {  	_ = 	snop  }
0x26: {  	[hbm4b:s1+s3] =	stream.indirect_vreg.scatter [tilespmem:s16], [sflag:$0x3], $0x80, v3, vm0, $0xb8;
	[tilespmem:$0x6100] =	vst v63  }
0x27: {  	_ = 	snop  }
0x28: {  	[hbm4b:s6+s3] =	stream.indirect_vreg.scatter [tilespmem:s17], [sflag:$0x3], $0x80, v3, vm0, $0xb8;
	[tilespmem:$0x6100] =	vst v63  }
0x29: {  	_ = 	snop  }
0x2a: {  	[hbm4b:s7+s3] =	stream.indirect_vreg.scatter [tilespmem:s18], [sflag:$0x3], $0x80, v3, vm0, $0xb8;
	[tilespmem:$0x6100] =	vst v63  }
0x2b: {  	s20 =	simm.s32 @!p0 $0x0;
	s21 =	simm.s32 @!p0 $0x3080  }
0x2c: {  	[tilespmem:s21], [sflag:$0x1] =	stream.linear.gather @!p0 [hbm4b:s8+s20], $0x80, $0x38;
	[tilespmem:$0x6100] =	vst v63  }
0x2d: {  	s22 =	simm.s32 @!p0 $0x1;
	s21 =	simm.s32 @!p0 $0x3100  }
0x2e: {  	[tilespmem:s21], [sflag:$0x2] =	stream.linear.gather @!p0 [hbm4b:s9+s20], $0x3000, $0x38;
	[tilespmem:$0x6100] =	vst v63  }
0x2f: {  	_ =	swait.ge @!p0 [sflag:s22], $0x80  }
0x30: {  	[sflag:s22] =	ssyncset.done @!p0 $0x0  }
0x31: {  	[sflag:s22] =	ssyncadd.s32 @!p0 $0xFFFFFF80;
	s22 =	simm.s32 @!p0 $0x2  }
0x32: {  	_ =	swait.ge @!p0 [sflag:s22], $0x3000  }
0x33: {  	[sflag:s22] =	ssyncset.done @!p0 $0x0  }
0x34: {  	[sflag:s22] =	ssyncadd.s32 @!p0 $0xFFFFD000;
	s22 =	simm.s32 @!p0 $0x3  }
0x35: {  	_ =	swait.ge @!p0 [sflag:s22], $0x3000  }
0x36: {  	[sflag:s22] =	ssyncset.done @!p0 $0x0  }
0x37: {  	[sflag:s22] =	ssyncadd.s32 @!p0 $0xFFFFD000  }
0x38: {  	v3 =	vld @!p0 [tilespmem:$0x3080];
	_ =	sdelay $0x4  }
0x39: {  	v4 =	vshrl.u32 @!p0 v3, $0x3  }
0x3a: {  	v4 =	vmul.u32 @!p0 $0x30, v4  }
0x3b: {  	v5 =	vlaneseq.u32 @!p0;
	v3 =	vand.u32 @!p0 $0x7, v3  }
0x3c: {  	v6 =	vshrl.u32 @!p0 v5, $0x3;
	v3 =	vor.u32 @!p0 v3, v4;
	v4 =	vand.u32 @!p0 $0x7, v5  }
0x3d: {  	v6 =	vmul.u32 @!p0 $0x8, v6;
	v4 =	vperm.xlane @!p0 v3, v4;
	_ =	sdelay $0x1  }
0x3e: {  	v4 =	vadd.s32 @!p0 v6, v4;
	_ =	sdelay $0x2  }
0x3f: {  	v5 =	vor.u32 @!p0 $0x8, v5  }
0x40: {  	v3 =	vperm.xlane @!p0 v3, v5  }
0x41: {  	[hbm4b:s1+s20] =	stream.indirect_vreg.scatter @!p0 [tilespmem:s21], [sflag:$0x3], $0x80, v4, vm1, $0xb8;
	[tilespmem:$0x6100] =	vst v63  }
0x42: {  	v3 =	vadd.s32 @!p0 v6, v3;
	s21 =	simm.s32 @!p0 $0x3900  }
0x43: {  	[hbm4b:s6+s20] =	stream.indirect_vreg.scatter @!p0 [tilespmem:s21], [sflag:$0x3], $0x80, v4, vm1, $0xb8;
	[tilespmem:$0x6100] =	vst v63  }
0x44: {  	s21 =	simm.s32 @!p0 $0x4100  }
0x45: {  	[hbm4b:s7+s20] =	stream.indirect_vreg.scatter @!p0 [tilespmem:s21], [sflag:$0x3], $0x80, v4, vm1, $0xb8;
	[tilespmem:$0x6100] =	vst v63  }
0x46: {  	s10 =	sadd.s32 $0xFFFFFFFF, s10;
	s21 =	simm.s32 @!p0 $0x4900  }
0x47: {  	[hbm4b:s1+s20] =	stream.indirect_vreg.scatter @!p0 [tilespmem:s21], [sflag:$0x3], $0x80, v3, vm1, $0xb8;
	[tilespmem:$0x6100] =	vst v63  }
0x48: {  	p1 =	sne.s32 s10, $0x0;
	s21 =	simm.s32 @!p0 $0x5100  }
0x49: {  	[hbm4b:s6+s20] =	stream.indirect_vreg.scatter @!p0 [tilespmem:s21], [sflag:$0x3], $0x80, v3, vm1, $0xb8;
	[tilespmem:$0x6100] =	vst v63  }
.Ltmp0:
0x4a: {  	s21 =	simm.s32 @!p0 $0x5900;
	(pc) =	sbr.rel @p1 .LBB2_1-.Ltmp0, $4  }
0x4b: {  	[hbm4b:s7+s20] =	stream.indirect_vreg.scatter @!p0 [tilespmem:s21], [sflag:$0x3], $0x80, v3, vm1, $0xb8;
	[tilespmem:$0x6100] =	vst v63  }
0x4c: {  	_ =	swait.ge [sflag:s19], $0x3000  }
0x4d: {  	[sflag:s19] =	ssyncset.done $0x0  }
0x4e: {  	[sflag:s19] =	ssyncadd.s32 $0xFFFFD000  }
0x4f: {  	_ =	sfence.sel $0x180000  }
0x50: {  	[bflag:$0x0] =	sbarrier.arrive $0xFFFF  }
0x51: {  	p0 =	sne.s32 s2, $0x0;
	_ =	strace $0x9000004A  }
0x52: {  	s0 =	sadd.s32 @!p0 $0x100000, s0;
	[bflag:$0x2] =	sbarrier.arrive $0xFFFF  }
0x53: {  	[sflag:s0] =	ssyncadd.tile.s32 @!p0 $0x1;
	_ =	shalt  }
.Lfunc_end2:
_tile_overlayer_lowered:
.L_overlay_start_2:
0x54: {  	(tag) =	ssettag $0x2  }
0x55: {  	s0 =	rddreg [dreg:$0x0];
	s2 =	stileid.u32  }
0x56: {  	s1 =	rddreg [dreg:$0x1];
	p0 =	sne.s32 s2, $0x0  }
0x57: {  	s3 =	rddreg [dreg:$0x2];
	[bflag:$0x3] =	sbarrier.arrive $0xFFFF;
	s2 =	simm.s32 @!p0 $0x1C04  }
0x58: {  	[timem:s3], [sflag:s2] =	dma.local @!p0 [hbm:s0], s1  }
0x59: {  	s0 =	simm.s32 @!p0 $0x4  }
0x5a: {  	_ =	swait.ge @!p0 [sflag:s0], s1  }
0x5b: {  	s1 =	ssub.s32 @!p0 $0x0, s1;
	[sflag:s0] =	ssyncset.done @!p0 $0x0  }
0x5c: {  	[sflag:s0] =	ssyncadd.s32 @!p0 s1  }
0x5d: {  	[bflag:$0x3] =	sbarrier.arrive $0xFFFF  }
0x5e: {  	_ =	shalt  }

// kernel: kernel.7.cloned.1.call-start
scs
__scs_entry_jumppad:
0x0: {  	(pc) =	sbr.rel $0x88, $3  }
0x1: {  	(tag) =	ssettag $0x0;
	lr =	simm.s32 $0x1  }
0x2: {  	[smem:$0x3F99] =	sst lr;
	_ =	strace $0xD0000000  }
0x3: {  	_ = 	snop  }
0x4: {  	_ = 	snop  }
0x5: {  	_ = 	snop  }
0x6: {  	_ = 	snop  }
0x7: {  	_ = 	snop  }
__scs_overlays_trampoline_lowered:
0x8: {  	[smem:$0x3FA8] =	sst s0  }
0x9: {  	[smem:$0x3FA9] =	sst s1  }
0xa: {  	[smem:$0x3FAA] =	sst s2  }
0xb: {  	[smem:$0x3FAB] =	sst s3  }
0xc: {  	[smem:$0x3FAC] =	sst s4  }
0xd: {  	[smem:$0x3FAD] =	sst s5  }
0xe: {  	[smem:$0x3FAE] =	sst s6  }
0xf: {  	[smem:$0x3FAF] =	sst s7  }
0x10: {  	[smem:$0x3FB0] =	sst s8  }
0x11: {  	[smem:$0x3FB1] =	sst s9;
	s0 =	simm.s32 @!p0 $0x0  }
0x12: {  	s1 =	sld [smem:$0x3F97];
	s0 =	simm.s32 @p0 $0x1  }
0x13: {  	[smem:$0x3FB2] =	sst s0;
	s0 =	simm.s32 @!p1 $0x0  }
0x14: {  	s2 =	sld [smem:$0x3F96];
	s0 =	simm.s32 @p1 $0x1  }
0x15: {  	[smem:$0x3FB3] =	sst s0;
	s0 =	simm.s32 @!p2 $0x0  }
0x16: {  	s3 =	sld [smem:$0x3FDB];
	s0 =	simm.s32 @p2 $0x1  }
0x17: {  	s4 =	simm.s32 $0x1BF5;
	[smem:$0x3FB5] =	sst s0  }
0x18: {  	s0 =	sld [smem:$0x3F98];
	_ =	swait.ge [sflag:s4], $0x0  }
0x19: {  	s7 =	sld [smem:$0x3F99]  }
0x1a: {  	s8 =	sadd.s32 $0xFFFFE003, lr  }
0x1b: {  	s9 =	sadd.s32 $0xFFFFFEF7, lr;
	s5 =	simm.s32 $0xFFFFFFFF;
	p2 =	slt.u32 s8, $0xFFFFF086  }
0x1c: {  	p1 =	slt.u32 s9, $0xF7A;
	s5 =	simm.s32 @!p2 $0x0  }
0x1d: {  	s5 =	simm.s32 @p1 $0x1;
	p0 =	seq.s32 s7, s2  }
0x1e: {  	s7 =	smul.u32 @!p0 $0xF7A, s2;
	p2 =	seq.s32 @!p0 s5, $0x0  }
0x1f: {  	s9 =	smul.u32 $0xF7A, s1;
	s8 =	simm.s32 @!p0 $0x1BF5;
	p2 =	por !p2, p0  }
0x20: {  	[sflag:s8] =	ssyncset.s32 @!p0 $0xFFFFF086;
	s6 =	sadd.s32 @!p0 s3, s7;
	s7 =	simm.s32 @!p0 $0x108  }
0x21: {  	s3 =	sadd.s32 s3, s9;
	s6 =	sadd.s32 @!p0 $0x88, s6;
	s7 =	simm.s32 @p2 $0x1082  }
0x22: {  	[simem:s7], [sflag:s8] =	dma.local @!p0 [hbm:s6], $0xF7A  }
0x23: {  	s9 =	sor.u32 $0xD0000000, s2;
	s6 =	simm.s32 $0x108;
	_ =	swait.ge @!p0 [sflag:s8], $0x0  }
0x24: {  	s3 =	sadd.s32 $0x88, s3;
	s6 =	simm.s32 @!p1 $0x1082;
	[sflag:s4] =	ssyncset.s32 $0xFFFFF086  }
0x25: {  	[simem:s6], [sflag:s4] =	dma.local [hbm:s3], $0xF7A  }
0x26: {  	[smem:$0x3F99] =	sst s1;
	(tag) =	ssettag s2;
	_ =	strace s9  }
0x27: {  	s1 =	sld [smem:$0x3FA9]  }
0x28: {  	s2 =	sld [smem:$0x3FAA]  }
0x29: {  	s4 =	sld [smem:$0x3FAC]  }
0x2a: {  	p0 =	seq.s32 s5, $0x0;
	s5 =	sld [smem:$0x3FAD]  }
0x2b: {  	s6 =	sld [smem:$0x3FAE]  }
0x2c: {  	s7 =	sld [smem:$0x3FAF]  }
0x2d: {  	s3 =	simm.s32 $0x108;
	s8 =	sld [smem:$0x3FB0]  }
0x2e: {  	s3 =	simm.s32 @!p0 $0x1082;
	s9 =	sld [smem:$0x3FB1]  }
0x2f: {  	lr =	sadd.s32 s0, s3;
	s0 =	sld [smem:$0x3FA8]  }
0x30: {  	s3 =	sld [smem:$0x3FAB]  }
0x31: {  	[smem:$0x3FB4] =	sst s10  }
0x32: {  	s10 =	sld [smem:$0x3FB2];
	_ =	sdelay $0x3  }
0x33: {  	p0 =	seq.s32 s10, $0x1;
	s10 =	sld [smem:$0x3FB4];
	_ =	sdelay $0x3  }
0x34: {  	[smem:$0x3FB4] =	sst s10  }
0x35: {  	s10 =	sld [smem:$0x3FB3];
	_ =	sdelay $0x3  }
0x36: {  	p1 =	seq.s32 s10, $0x1;
	s10 =	sld [smem:$0x3FB4];
	_ =	sdelay $0x3  }
0x37: {  	[smem:$0x3FB4] =	sst s10  }
0x38: {  	s10 =	sld [smem:$0x3FB5]  }
0x39: {  	_ = 	snop;
	(pc) =	sbr.ind lr, $3  }
0x3a: {  	_ = 	snop  }
0x3b: {  	_ = 	snop  }
0x3c: {  	p2 =	seq.s32 s10, $0x1;
	s10 =	sld [smem:$0x3FB4]  }
0x3d: {  	_ =	shalt  }
0x3e: {  	_ =	shalt  }
0x3f: {  	_ =	shalt  }
0x40: {  	_ =	shalt  }
0x41: {  	_ =	shalt  }
0x42: {  	_ =	shalt  }
0x43: {  	_ =	shalt  }
0x44: {  	_ =	shalt  }
0x45: {  	_ =	shalt  }
0x46: {  	_ =	shalt  }
0x47: {  	_ =	shalt  }
0x48: {  	_ =	shalt  }
0x49: {  	_ =	shalt  }
0x4a: {  	_ =	shalt  }
0x4b: {  	_ =	shalt  }
0x4c: {  	_ =	shalt  }
0x4d: {  	_ =	shalt  }
0x4e: {  	_ =	shalt  }
0x4f: {  	_ =	shalt  }
0x50: {  	_ =	shalt  }
0x51: {  	_ =	shalt  }
0x52: {  	_ =	shalt  }
0x53: {  	_ =	shalt  }
0x54: {  	_ =	shalt  }
0x55: {  	_ =	shalt  }
0x56: {  	_ =	shalt  }
0x57: {  	_ =	shalt  }
0x58: {  	_ =	shalt  }
0x59: {  	_ =	shalt  }
0x5a: {  	_ =	shalt  }
0x5b: {  	_ =	shalt  }
0x5c: {  	_ =	shalt  }
0x5d: {  	_ =	shalt  }
0x5e: {  	_ =	shalt  }
0x5f: {  	_ =	shalt  }
0x60: {  	_ =	shalt  }
0x61: {  	_ =	shalt  }
0x62: {  	_ =	shalt  }
0x63: {  	_ =	shalt  }
0x64: {  	_ =	shalt  }
0x65: {  	_ =	shalt  }
0x66: {  	_ =	shalt  }
0x67: {  	_ =	shalt  }
0x68: {  	_ =	shalt  }
0x69: {  	_ =	shalt  }
0x6a: {  	_ =	shalt  }
0x6b: {  	_ =	shalt  }
0x6c: {  	_ =	shalt  }
0x6d: {  	_ =	shalt  }
0x6e: {  	_ =	shalt  }
0x6f: {  	_ =	shalt  }
0x70: {  	_ =	shalt  }
0x71: {  	_ =	shalt  }
0x72: {  	_ =	shalt  }
0x73: {  	_ =	shalt  }
0x74: {  	_ =	shalt  }
0x75: {  	_ =	shalt  }
0x76: {  	_ =	shalt  }
0x77: {  	_ =	shalt  }
0x78: {  	_ =	shalt  }
0x79: {  	_ =	shalt  }
0x7a: {  	_ =	shalt  }
0x7b: {  	_ =	shalt  }
0x7c: {  	_ =	shalt  }
0x7d: {  	_ =	shalt  }
0x7e: {  	_ =	shalt  }
0x7f: {  	_ =	shalt  }
0x80: {  	_ =	shalt  }
0x81: {  	_ =	shalt  }
0x82: {  	_ =	shalt  }
0x83: {  	_ =	shalt  }
0x84: {  	_ =	shalt  }
0x85: {  	_ =	shalt  }
0x86: {  	_ =	shalt  }
0x87: {  	_ =	shalt  }
.Lfunc_end0:
.L_simem_size_0:
called_computation_lowered:
.L_overlay_start_0:
0x88: {  	s2 =	sld [smem:$0x3FD9]  }
0x89: {  	s3 =	sld [smem:$0x3FFE];
	_ =	sdelay $0x1  }
0x8a: {  	s1 =	srdreg.scid  }
0x8b: {  	s0 =	sand.u32 $0x1, s1  }
0x8c: {  	s17 =	sshll.u32 s0, $0xA;
	s2 =	sadd.s32 s3, s2  }
0x8d: {  	s2 =	sadd.s32 s2, s17  }
0x8e: {  	[smem:$0x3FC0] =	sst s2  }
0x8f: {  	_ = 	snop  }
0x90: {  	s2 =	sld [smem:$0x3FC9];
	(tm) =	ssettm $0x1  }
0x91: {  	s18 =	sld [smem:$0x3FFB];
	_ =	sdelay $0x3  }
0x92: {  	_ =	strace s18  }
0x93: {  	s3 =	sld [smem:$0x3FFC];
	_ =	sdelay $0x3  }
0x94: {  	_ =	strace s3  }
0x95: {  	s3 =	sld [smem:$0x3FFD];
	_ =	sdelay $0x3  }
0x96: {  	_ =	strace s3  }
0x97: {  	_ =	strace $0x8FFFFFFF  }
0x98: {  	s19 =	sld [smem:$0x3FDB];
	_ =	sdelay $0x1  }
0x99: {  	s4 =	simm.s32 $_scs_section_size  }
0x9a: {  	s5 =	simm.s32 $_size__tile_overlayer_lowered;
	s6 =	simm.s32 $_tile_overlayer_lowered  }
0x9b: {  	s22 =	simm.s32 $0x1BFF;
	s21 =	sshll.u32 s6, $0x1;
	s3 =	sadd.s32 s4, s19  }
0x9c: {  	s7 =	simm.s32 $0x0;
	s20 =	sshll.u32 s5, $0x1;
	s5 =	sadd.s32 s21, s3  }
0x9d: {  	[timem:s7], [sflag:s22] =	dma.local [hbm:s5], s20  }
0x9e: {  	_ =	swait.ge [sflag:s22], s20  }
0x9f: {  	s4 =	ssub.s32 $0x0, s20;
	[sflag:s22] =	ssyncset.done $0x0  }
0xa0: {  	[sflag:s22] =	ssyncadd.s32 s4;
	_ =	sdelay $0x1  }
0xa1: {  	s23 =	simm.s32 $0x1B8B  }
0xa2: {  	_ =	swait.ge [sflag:s23], $0x1  }
0xa3: {  	[sflag:s23] =	ssyncset.done $0x0  }
0xa4: {  	s25 =	simm.s32 $0x1B8E;
	s24 =	sld [smem:$0x3FFE];
	[sflag:s23] =	ssyncadd.s32 $0xFFFFFFFF  }
0xa5: {  	s26 =	simm.s32 $execute0_lowered;
	[smem:$0x3FD2] =	sst s25  }
0xa6: {  	s5 =	sshll.u32 s26, $0x1;
	_ =	strace $0x80000046;
	[dreg:$0x1] =	wrdreg $0xFFFFFFFF  }
0xa7: {  	s28 =	simm.s32 $_size_execute0_lowered;
	s3 =	sadd.s32 s3, s5;
	[dreg:$0x0] =	wrdreg $0x0  }
0xa8: {  	s5 =	sshll.u32 s28, $0x1;
	[dreg:$0x2] =	wrdreg s3  }
0xa9: {  	[dreg:$0x3] =	wrdreg s5  }
0xaa: {  	[dreg:$0x4] =	wrdreg $0xC0  }
0xab: {  	_ =	task [dreg:s7], $0x5FFFF  }
0xac: {  	[dreg:$0x1] =	wrdreg $0xFFFFFFFF  }
0xad: {  	[dreg:$0x0] =	wrdreg $0x60  }
0xae: {  	[dreg:$0x2] =	wrdreg s2  }
0xaf: {  	[dreg:$0x3] =	wrdreg s24  }
0xb0: {  	[dreg:$0x4] =	wrdreg $0x9  }
0xb1: {  	_ =	task.clear_ibuf [dreg:s7], $0x5FFFF;
	_ =	strace $0x90000046  }
0xb2: {  	s29 =	simm.s32 $0x9;
	_ =	strace $0x80000048  }
0xb3: {  	_ =	swait.ge [sflag:s29], $0x1  }
0xb4: {  	[sflag:s29] =	ssyncadd.s32 $0xFFFFFFFF  }
0xb5: {  	_ =	strace $0x90000048  }
0xb6: {  	_ =	sfence  }
0xb7: {  	s30 =	sld [smem:$0x0];
	_ =	sdelay $0x2  }
0xb8: {  	s31 =	sshll.u32 s1, $0xD;
	s1 =	sshrl.u32 s1, $0x2  }
0xb9: {  	s3 =	sand.u32 $0x4000, s31;
	s1 =	sadd.s32 s1, s30  }
0xba: {  	s0 =	sor.u32 s3, s0;
	s1 =	sshll.u32 s1, $0x11  }
0xbb: {  	s0 =	sor.u32 s1, s0  }
0xbc: {  	s0 =	sadd.s32 $0x8F2B, s0  }
0xbd: {  	[sflag:s0] =	ssyncadd.remote.s32 $0x1  }
0xbe: {  	_ =	sfence.sel $0xFFFF  }
0xbf: {  	[dreg:$0x0] =	wrdreg $0xFFFFFFFF;
	(pc) =	sbr.abs _section_cstart, $3  }
0xc0: {  	[dreg:$0x1] =	wrdreg $0xFFFFFFFF  }
0xc1: {  	_ =	task.clear_ibuf [dreg:s7], $0x2FFFF;
	_ =	strace $0x9FFFFFFF  }
0xc2: {  	(tm) =	ssettm $0x7FFFFFFF  }
0xc3: {  	_ =	shalt  }
tec
execute0_lowered:
.L_overlay_start_1:
0x0: {  	(tag) =	ssettag $0x1  }
0x1: {  	vm0 =	vmmov $0x1;
	v1 =	vlaneseq.u32  }
0x2: {  	v2 =	vimm.s32 $0x0;
	vm1 =	vcmask $0x308;
	v51 =	vimm.s32 $0x198  }
0x3: {  	vm2 =	vcmask $0x300;
	v52 =	vimm.s32 $0x1198;
	vm3 =	vcmask $0x704  }
0x4: {  	v3 =	vor.u32 $0x1000, v1;
	v4 =	vor.u32 $0x10, v1;
	v5 =	vor.u32 $0x1010, v1  }
0x5: {  	v6 =	vor.u32 $0x20, v1;
	v7 =	vor.u32 $0x1020, v1;
	v8 =	vor.u32 $0x30, v1  }
0x6: {  	v9 =	vor.u32 $0x1030, v1;
	v10 =	vor.u32 $0x40, v1;
	v11 =	vor.u32 $0x1040, v1  }
0x7: {  	v12 =	vor.u32 $0x50, v1;
	v13 =	vor.u32 $0x1050, v1;
	v14 =	vor.u32 $0x60, v1  }
0x8: {  	v15 =	vor.u32 $0x1060, v1;
	v16 =	vor.u32 $0x70, v1;
	v17 =	vor.u32 $0x1070, v1  }
0x9: {  	v18 =	vor.u32 $0x80, v1;
	v19 =	vor.u32 $0x1080, v1;
	v20 =	vor.u32 $0x90, v1  }
0xa: {  	s1 =	rddreg [dreg:$0x0];
	v21 =	vor.u32 $0x1090, v1;
	v22 =	vor.u32 $0xA0, v1;
	v23 =	vor.u32 $0x10A0, v1  }
0xb: {  	s0 =	stileid.u32;
	s6 =	rddreg [dreg:$0x1];
	s3 =	simm.s32 $0x0;
	v24 =	vor.u32 $0xB0, v1;
	v25 =	vor.u32 $0x10B0, v1;
	v26 =	vor.u32 $0xC0, v1  }
0xc: {  	s7 =	srdreg.scid;
	s13 =	simm.s32 $0xAD00;
	s14 =	simm.s32 $0x8000;
	v27 =	vor.u32 $0x10C0, v1;
	v28 =	vor.u32 $0xD0, v1;
	v29 =	vor.u32 $0x10D0, v1  }
0xd: {  	s17 =	simm.s32 $0xB580;
	s18 =	simm.s32 $0xBD80;
	s19 =	simm.s32 $0xC580;
	v30 =	vor.u32 $0xE0, v1;
	v31 =	vor.u32 $0x10E0, v1;
	v32 =	vor.u32 $0xF0, v1  }
0xe: {  	s20 =	simm.s32 $0xCD80;
	s21 =	simm.s32 $0xD580;
	s22 =	simm.s32 $0x1;
	v33 =	vor.u32 $0x10F0, v1;
	v34 =	vor.u32 $0x100, v1;
	v35 =	vor.u32 $0x1100, v1  }
0xf: {  	s24 =	simm.s32 $0x0;
	s5 =	sand.u32 $0x1, s0;
	[smem:$0x7FF] =	sst s3;
	v36 =	vor.u32 $0x110, v1;
	v37 =	vor.u32 $0x1110, v1;
	v38 =	vor.u32 $0x120, v1  }
0x10: {  	s7 =	sand.u32 $0x1, s7;
	s9 =	smul.u32 $0x1A0, s0;
	v39 =	vor.u32 $0x1120, v1;
	v40 =	vor.u32 $0x130, v1;
	v41 =	vor.u32 $0x1130, v1;
	s12 =	sadd.s32 $0x3E00, s6  }
0x11: {  	v42 =	vor.u32 $0x140, v1;
	v43 =	vor.u32 $0x1140, v1;
	v44 =	vor.u32 $0x150, v1;
	s26 =	sand.u32 $0xE, s0;
	p1 =	slt.u32 s0, $0x2;
	s4 =	sshll.u32 s5, $0xC  }
0x12: {  	v45 =	vor.u32 $0x1150, v1;
	v46 =	vor.u32 $0x160, v1;
	v47 =	vor.u32 $0x1160, v1;
	_ =	strace $0x80000047;
	s8 =	sshll.u32 s5, $0x7;
	s10 =	ssub.s32 $0x2, s7  }
0x13: {  	v48 =	vor.u32 $0x170, v1;
	v49 =	vor.u32 $0x1170, v1;
	v50 =	vor.u32 $0x180, v1;
	s28 =	smul.u32 $0x1A, s5;
	p0 =	seq.s32 s7, $0x0;
	s7 =	sor.u32 s7, s26  }
0x14: {  	v51 =	vsel vm2, $0x190, v51;
	v52 =	vsel vm2, $0x1190, v52;
	v0 =	vmov s4;
	s4 =	sadd.s32 s4, s6;
	s8 =	sadd.s32 s8, s6;
	s11 =	sshrl.u32 s10, $0x1  }
0x15: {  	vm2 =	vcmask $0xB08;
	v51 =	vsel vm3, $0x191, v51;
	v52 =	vsel vm3, $0x1191, v52;
	s6 =	sadd.s32 s9, s6;
	s15 =	sor.u32 $0x10, s7;
	p0 =	por !p0, !p1  }
0x16: {  	vm3 =	vcmask $0xF0C;
	s16 =	sshll.u32 s7, $0x9;
	v51 =	vsel vm2, $0x192, v51;
	v52 =	vsel vm2, $0x1192, v52;
	s11 =	ssub.s32 s10, s11;
	s4 =	sadd.s32 $0x1C00, s4  }
0x17: {  	vm2 =	vcmask $0x1310;
	s5 =	sadd.s32 $0x3C00, s8;
	s29 =	sadd.s32 s7, s28;
	s31 =	sadd.s32 s28, s15;
	v51 =	vsel vm3, $0x193, v51;
	v52 =	vsel vm3, $0x1193, v52  }
0x18: {  	p0 =	por !p0, !p0;
	s6 =	sadd.s32 $0x17600, s6;
	s7 =	sadd.s32 $0x100, s1;
	vm3 =	vcmask $0x1714;
	v51 =	vsel vm2, $0x194, v51;
	v52 =	vsel vm2, $0x1194, v52  }
0x19: {  	s8 =	sadd.s32 $0x200, s1;
	s23 =	sshll.u32 s15, $0x9;
	s30 =	smul.u32 $0x600, s29;
	vm2 =	vcmask $0x1B18;
	v51 =	vsel vm3, $0x195, v51;
	v52 =	vsel vm3, $0x1195, v52  }
0x1a: {  	p1 =	sgt.u32 s15, $0x19;
	s15 =	sshrl.u32 s16, $0x2;
	s10 =	smul.u32 $0x600, s31;
	vm3 =	vcmask $0x1F1C;
	v53 =	vsel vm2, $0x196, v51;
	v54 =	vsel vm2, $0x1196, v52  }
0x1b: {  	s16 =	simm.s32 $0xAD80;
	s11 =	smax.u32 s11, $0x1;
	s23 =	sshrl.u32 @!p1 s23, $0x2;
	v51 =	vor.u32 $0x1180, v1;
	vm2 =	vmmov $0xffff;
	v52 =	vsel vm3, $0x197, v53  }
0x1c: {  	s9 =	sadd.s32 s12, s30;
	s10 =	sadd.s32 s12, s10;
	s12 =	simm.s32 $0x2;
	v53 =	vsel vm3, $0x1197, v54;
	v54 =	vand.u32 $0x7, v1;
	vm3 =	vmmov @!p1 $0xffff  }
.LBB2_1:
0x1d: {  	[tilespmem:s3], [sflag:$0x2] =	stream.linear.gather [hbm4b:s4+s3], $0x8000, $0x38;
	[tilespmem:$0xDD80] =	vst v63  }
0x1e: {  	_ =	swait.ge [sflag:s12], $0x8000  }
0x1f: {  	[sflag:s12] =	ssyncset.done $0x0  }
0x20: {  	[sflag:s12] =	ssyncadd.s32 $0xFFFF8000  }
0x21: {  	[tilespmem:s13], [sflag:$0x2] =	stream.linear.gather [hbm4b:s5+s3], $0x10, $0x38;
	[tilespmem:$0xDD80] =	vst v63  }
0x22: {  	_ =	swait.ge [sflag:s12], $0x10  }
0x23: {  	[sflag:s12] =	ssyncset.done $0x0  }
0x24: {  	[sflag:s12] =	ssyncadd.s32 $0xFFFFFFF0  }
0x25: {  	v55 =	vld [tilespmem:$0xAD00];
	_ =	sdelay $0x4  }
0x26: {  	v56 =	vnsel vm0, $0x0, v55  }
0x27: {  	(xrf0) =	vadd.scan.msk.s32 $0xffff, v56;
	_ =	sdelay $0x3  }
0x28: {  	v57 =	vld [tilespmem:s3+$0x0];
	_ =	sdelay $0x1  }
0x29: {  	v56, _, _ =	vpop (xrf0)  }
0x2a: {  	v56 =	vbroadcast v56, $0xF  }
0x2b: {  	v58 =	vmov s3  }
0x2c: {  	vm4 =	vne.s32 v58, v1;
	vm5 =	vgt.s32 v57, v56  }
0x2d: {  	vm6 =	veq.s32 v57, v56;
	vm5 =	vmand vm4, vm5  }
0x2e: {  	vm4 =	vmand vm4, vm6;
	v61 =	vsel vm5, $0x1, v2  }
0x2f: {  	v62 =	vsel vm4, $0x1, v2;
	(xrf0) =	vadd.scan.msk.s32 $0xffff, v61  }
0x30: {  	(xrf0) =	vadd.scan.msk.s32 $0xffff, v62;
	_ =	sdelay $0x1  }
0x31: {  	v63 =	vmov s3;
	s25 =	simm.s32 $0x1000  }
0x32: {  	v60 =	vmov s25;
	v57 =	vadd.s32 $0xFFFFFFFF, v63  }
0x33: {  	v58 =	vadd.s32 $0xFFFFFFFF, v60;
	v57 =	vbroadcast v57, $0x0  }
0x34: {  	v58 =	vbroadcast v58, $0x0;
	v59, _, _ =	vpop (xrf0)  }
0x35: {  	v57 =	vadd.s32 v59, v57;
	v60, _, _ =	vpop (xrf0);
	(v2sf) =	vpush v59, $0xF  }
0x36: {  	v58 =	vadd.s32 v60, v58  }
0x37: {  	(v2sf) =	vpush v60, $0xF;
	_ =	sdelay $0x1  }
0x38: {  	v61 =	vor.u32 s3, v1  }
0x39: {  	[tilespmem:v57+s14+$0x0] =	vst.idx.msk vm5, v61  }
0x3a: {  	s26 =	simm.s32 $0x80;
	[tilespmem:v58+s14+$0x0] =	vst.idx.msk vm4, v61  }
0x3b: {  	v57 =	vld [tilespmem:s26+$0x0];
	_ =	sdelay $0x2  }
0x3c: {  	s25 =	simm.s32 $0x10  }
0x3d: {  	v62 =	vmov s25  }
0x3e: {  	vm5 =	vne.s32 v62, v1;
	vm4 =	vgt.s32 v57, v56  }
0x3f: {  	vm6 =	veq.s32 v57, v56;
	vm4 =	vmand vm5, vm4  }
0x40: {  	s30 =	simm.s32 $0x20;
	vm5 =	vmand vm5, vm6;
	v63 =	vsel vm4, $0x1, v2  }
0x41: {  	s28 =	simm.s32 $0x0;
	s29 =	simm.s32 $0x0;
	v57 =	vsel vm5, $0x1, v2;
	(xrf0) =	vadd.scan.msk.s32 $0xffff, v63;
	s31 =	spop (v2sf)  }
.LBB2_2:
0x42: {  	s28 =	sadd.s32 s28, s31  }
0x43: {  	(xrf0) =	vadd.scan.msk.s32 $0xffff, v57;
	s31 =	spop (v2sf);
	s2 =	smov.u32 s30;
	s0 =	sadd.s32 $0x10, s30  }
0x44: {  	p2 =	sne.s32 s30, $0xFF0;
	v57 =	vmov s28;
	s29 =	sadd.s32 s29, s31  }
0x45: {  	v57 =	vadd.s32 $0xFFFFFFFF, v57;
	s30 =	sadd.s32 $0x1000, s29  }
0x46: {  	v58 =	vmov s30  }
0x47: {  	v57 =	vbroadcast v57, $0x0;
	v58 =	vadd.s32 $0xFFFFFFFF, v58  }
0x48: {  	v58 =	vbroadcast v58, $0x0;
	v59, _, _ =	vpop (xrf0)  }
0x49: {  	v57 =	vadd.s32 v59, v57;
	v60, _, _ =	vpop (xrf0);
	(v2sf) =	vpush v59, $0xF  }
0x4a: {  	v58 =	vadd.s32 v60, v58;
	(v2sf) =	vpush v60, $0xF;
	_ =	sdelay $0x2  }
0x4b: {  	v59 =	vor.u32 s25, v1;
	s25 =	smov.u32 s2  }
0x4c: {  	[tilespmem:v57+s14+$0x0] =	vst.idx.msk vm4, v59  }
0x4d: {  	s26 =	sadd.s32 $0x80, s26;
	[tilespmem:v58+s14+$0x0] =	vst.idx.msk vm5, v59  }
0x4e: {  	v57 =	vld [tilespmem:s26+$0x0];
	_ =	sdelay $0x3  }
.Ltmp0:
0x4f: {  	v58 =	vmov s25;
	(pc) =	sbr.rel @p2 .LBB2_2-.Ltmp0, $4  }
0x50: {  	vm5 =	vne.s32 v58, v1;
	vm4 =	vgt.s32 v57, v56;
	vm6 =	veq.s32 v57, v56  }
0x51: {  	vm4 =	vmand vm5, vm4;
	vm5 =	vmand vm5, vm6  }
0x52: {  	v58 =	vsel vm4, $0x1, v2;
	v57 =	vsel vm5, $0x1, v2  }
0x53: {  	s30 =	smov.u32 s0;
	(xrf0) =	vadd.scan.msk.s32 $0xffff, v58;
	s31 =	spop (v2sf)  }
0x54: {  	(xrf0) =	vadd.scan.msk.s32 $0xffff, v57;
	v55 =	vsel vm1, $0x0, v55  }
0x55: {  	s0 =	spop (v2sf);
	(xrf0) =	vadd.scan.msk.s32 $0xffff, v55  }
0x56: {  	s2 =	sadd.s32 s28, s31;
	s0 =	sadd.s32 s29, s0  }
0x57: {  	v56 =	vmov s2;
	s0 =	sadd.s32 $0x1000, s0  }
0x58: {  	v58 =	vmov s0  }
0x59: {  	v55, _, _ =	vpop (xrf0)  }
0x5a: {  	v63 =	vadd.s32 $0xFFFFFFFF, v56;
	v56, _, _ =	vpop (xrf0)  }
0x5b: {  	v59 =	vbroadcast v63, $0x0;
	v60 =	vadd.s32 $0xFFFFFFFF, v58;
	v58, _, _ =	vpop (xrf0)  }
0x5c: {  	v60 =	vbroadcast v60, $0x0;
	v57 =	vbroadcast v58, $0xF  }
0x5d: {  	v58 =	vadd.s32 v55, v59  }
0x5e: {  	v59 =	vadd.s32 v56, v60;
	vm6 =	vgt.s32 v57, v1;
	v60 =	vsub.s32 v3, v57  }
0x5f: {  	v60 =	vsel vm6, v1, v60;
	_ =	sdelay $0x1  }
0x60: {  	v61 =	vor.u32 s25, v1  }
0x61: {  	[tilespmem:v58+s14+$0x0] =	vst.idx.msk vm4, v61  }
0x62: {  	[tilespmem:v59+s14+$0x0] =	vst.idx.msk vm5, v61  }
0x63: {  	v58 =	vld.idx.msk [tilespmem:v60+s14+$0x0], $0xffff  }
0x64: {  	vm4 =	vgt.s32 v57, v4;
	v61 =	vsub.s32 v5, v57  }
0x65: {  	v59 =	vsel vm4, v4, v61;
	_ =	sdelay $0x2  }
0x66: {  	v58 =	vadd.s32 v0, v58  }
0x67: {  	[tilespmem:$0xA000] =	vst v58  }
0x68: {  	v58 =	vld.idx.msk [tilespmem:v59+s14+$0x0], $0xffff  }
0x69: {  	v62 =	vsub.s32 v7, v57;
	vm4 =	vgt.s32 v57, v6  }
0x6a: {  	v59 =	vsel vm4, v6, v62;
	_ =	sdelay $0x2  }
0x6b: {  	v58 =	vadd.s32 v0, v58  }
0x6c: {  	[tilespmem:$0xA080] =	vst v58  }
0x6d: {  	v58 =	vld.idx.msk [tilespmem:v59+s14+$0x0], $0xffff  }
0x6e: {  	v63 =	vsub.s32 v9, v57;
	vm4 =	vgt.s32 v57, v8  }
0x6f: {  	v59 =	vsel vm4, v8, v63;
	_ =	sdelay $0x2  }
0x70: {  	v58 =	vadd.s32 v0, v58  }
0x71: {  	[tilespmem:$0xA100] =	vst v58  }
0x72: {  	v58 =	vld.idx.msk [tilespmem:v59+s14+$0x0], $0xffff  }
0x73: {  	v60 =	vsub.s32 v11, v57;
	vm4 =	vgt.s32 v57, v10  }
0x74: {  	v59 =	vsel vm4, v10, v60;
	_ =	sdelay $0x2  }
0x75: {  	v58 =	vadd.s32 v0, v58  }
0x76: {  	[tilespmem:$0xA180] =	vst v58  }
0x77: {  	v58 =	vld.idx.msk [tilespmem:v59+s14+$0x0], $0xffff  }
0x78: {  	v61 =	vsub.s32 v13, v57;
	vm4 =	vgt.s32 v57, v12  }
0x79: {  	v59 =	vsel vm4, v12, v61;
	_ =	sdelay $0x2  }
0x7a: {  	v58 =	vadd.s32 v0, v58  }
0x7b: {  	[tilespmem:$0xA200] =	vst v58  }
0x7c: {  	v58 =	vld.idx.msk [tilespmem:v59+s14+$0x0], $0xffff  }
0x7d: {  	v62 =	vsub.s32 v15, v57;
	vm4 =	vgt.s32 v57, v14  }
0x7e: {  	v59 =	vsel vm4, v14, v62;
	_ =	sdelay $0x2  }
0x7f: {  	v58 =	vadd.s32 v0, v58  }
0x80: {  	[tilespmem:$0xA280] =	vst v58  }
0x81: {  	v58 =	vld.idx.msk [tilespmem:v59+s14+$0x0], $0xffff  }
0x82: {  	v63 =	vsub.s32 v17, v57;
	vm4 =	vgt.s32 v57, v16  }
0x83: {  	v59 =	vsel vm4, v16, v63;
	_ =	sdelay $0x2  }
0x84: {  	v58 =	vadd.s32 v0, v58  }
0x85: {  	[tilespmem:$0xA300] =	vst v58  }
0x86: {  	v58 =	vld.idx.msk [tilespmem:v59+s14+$0x0], $0xffff  }
0x87: {  	v60 =	vsub.s32 v19, v57;
	vm4 =	vgt.s32 v57, v18  }
0x88: {  	v59 =	vsel vm4, v18, v60;
	_ =	sdelay $0x2  }
0x89: {  	v58 =	vadd.s32 v0, v58  }
0x8a: {  	[tilespmem:$0xA380] =	vst v58  }
0x8b: {  	v58 =	vld.idx.msk [tilespmem:v59+s14+$0x0], $0xffff  }
0x8c: {  	v61 =	vsub.s32 v21, v57;
	vm4 =	vgt.s32 v57, v20  }
0x8d: {  	v59 =	vsel vm4, v20, v61;
	_ =	sdelay $0x2  }
0x8e: {  	v58 =	vadd.s32 v0, v58  }
0x8f: {  	[tilespmem:$0xA400] =	vst v58  }
0x90: {  	v58 =	vld.idx.msk [tilespmem:v59+s14+$0x0], $0xffff  }
0x91: {  	v62 =	vsub.s32 v23, v57;
	vm4 =	vgt.s32 v57, v22  }
0x92: {  	v59 =	vsel vm4, v22, v62;
	_ =	sdelay $0x2  }
0x93: {  	v58 =	vadd.s32 v0, v58  }
0x94: {  	[tilespmem:$0xA480] =	vst v58  }
0x95: {  	v58 =	vld.idx.msk [tilespmem:v59+s14+$0x0], $0xffff  }
0x96: {  	v63 =	vsub.s32 v25, v57;
	vm4 =	vgt.s32 v57, v24  }
0x97: {  	v59 =	vsel vm4, v24, v63;
	_ =	sdelay $0x2  }
0x98: {  	v58 =	vadd.s32 v0, v58  }
0x99: {  	[tilespmem:$0xA500] =	vst v58  }
0x9a: {  	v58 =	vld.idx.msk [tilespmem:v59+s14+$0x0], $0xffff  }
0x9b: {  	v60 =	vsub.s32 v27, v57;
	vm4 =	vgt.s32 v57, v26  }
0x9c: {  	v59 =	vsel vm4, v26, v60;
	_ =	sdelay $0x2  }
0x9d: {  	v58 =	vadd.s32 v0, v58  }
0x9e: {  	[tilespmem:$0xA580] =	vst v58  }
0x9f: {  	v58 =	vld.idx.msk [tilespmem:v59+s14+$0x0], $0xffff  }
0xa0: {  	v61 =	vsub.s32 v29, v57;
	vm4 =	vgt.s32 v57, v28  }
0xa1: {  	v59 =	vsel vm4, v28, v61;
	_ =	sdelay $0x2  }
0xa2: {  	v58 =	vadd.s32 v0, v58  }
0xa3: {  	[tilespmem:$0xA600] =	vst v58  }
0xa4: {  	v58 =	vld.idx.msk [tilespmem:v59+s14+$0x0], $0xffff  }
0xa5: {  	v62 =	vsub.s32 v31, v57;
	vm4 =	vgt.s32 v57, v30  }
0xa6: {  	v59 =	vsel vm4, v30, v62;
	_ =	sdelay $0x2  }
0xa7: {  	v58 =	vadd.s32 v0, v58  }
0xa8: {  	[tilespmem:$0xA680] =	vst v58  }
0xa9: {  	v58 =	vld.idx.msk [tilespmem:v59+s14+$0x0], $0xffff  }
0xaa: {  	v63 =	vsub.s32 v33, v57;
	vm4 =	vgt.s32 v57, v32  }
0xab: {  	v59 =	vsel vm4, v32, v63;
	_ =	sdelay $0x2  }
0xac: {  	v58 =	vadd.s32 v0, v58  }
0xad: {  	[tilespmem:$0xA700] =	vst v58  }
0xae: {  	v58 =	vld.idx.msk [tilespmem:v59+s14+$0x0], $0xffff  }
0xaf: {  	v60 =	vsub.s32 v35, v57;
	vm4 =	vgt.s32 v57, v34  }
0xb0: {  	v59 =	vsel vm4, v34, v60;
	_ =	sdelay $0x2  }
0xb1: {  	v58 =	vadd.s32 v0, v58  }
0xb2: {  	[tilespmem:$0xA780] =	vst v58  }
0xb3: {  	v58 =	vld.idx.msk [tilespmem:v59+s14+$0x0], $0xffff  }
0xb4: {  	v61 =	vsub.s32 v37, v57;
	vm4 =	vgt.s32 v57, v36  }
0xb5: {  	v59 =	vsel vm4, v36, v61;
	_ =	sdelay $0x2  }
0xb6: {  	v58 =	vadd.s32 v0, v58  }
0xb7: {  	[tilespmem:$0xA800] =	vst v58  }
0xb8: {  	v58 =	vld.idx.msk [tilespmem:v59+s14+$0x0], $0xffff  }
0xb9: {  	v62 =	vsub.s32 v39, v57;
	vm4 =	vgt.s32 v57, v38  }
0xba: {  	v59 =	vsel vm4, v38, v62;
	_ =	sdelay $0x2  }
0xbb: {  	v58 =	vadd.s32 v0, v58  }
0xbc: {  	[tilespmem:$0xA880] =	vst v58  }
0xbd: {  	v58 =	vld.idx.msk [tilespmem:v59+s14+$0x0], $0xffff  }
0xbe: {  	v63 =	vsub.s32 v41, v57;
	vm4 =	vgt.s32 v57, v40  }
0xbf: {  	v59 =	vsel vm4, v40, v63;
	_ =	sdelay $0x2  }
0xc0: {  	v58 =	vadd.s32 v0, v58  }
0xc1: {  	[tilespmem:$0xA900] =	vst v58  }
0xc2: {  	v58 =	vld.idx.msk [tilespmem:v59+s14+$0x0], $0xffff  }
0xc3: {  	v60 =	vsub.s32 v43, v57;
	vm4 =	vgt.s32 v57, v42  }
0xc4: {  	v59 =	vsel vm4, v42, v60;
	_ =	sdelay $0x2  }
0xc5: {  	v58 =	vadd.s32 v0, v58  }
0xc6: {  	[tilespmem:$0xA980] =	vst v58  }
0xc7: {  	v58 =	vld.idx.msk [tilespmem:v59+s14+$0x0], $0xffff  }
0xc8: {  	v61 =	vsub.s32 v45, v57;
	vm4 =	vgt.s32 v57, v44  }
0xc9: {  	v59 =	vsel vm4, v44, v61;
	_ =	sdelay $0x2  }
0xca: {  	v58 =	vadd.s32 v0, v58  }
0xcb: {  	[tilespmem:$0xAA00] =	vst v58  }
0xcc: {  	v58 =	vld.idx.msk [tilespmem:v59+s14+$0x0], $0xffff  }
0xcd: {  	v62 =	vsub.s32 v47, v57;
	vm4 =	vgt.s32 v57, v46  }
0xce: {  	v59 =	vsel vm4, v46, v62;
	_ =	sdelay $0x2  }
0xcf: {  	v58 =	vadd.s32 v0, v58  }
0xd0: {  	[tilespmem:$0xAA80] =	vst v58  }
0xd1: {  	v58 =	vld.idx.msk [tilespmem:v59+s14+$0x0], $0xffff  }
0xd2: {  	v63 =	vsub.s32 v49, v57;
	vm4 =	vgt.s32 v57, v48  }
0xd3: {  	v59 =	vsel vm4, v48, v63;
	_ =	sdelay $0x2  }
0xd4: {  	v58 =	vadd.s32 v0, v58  }
0xd5: {  	[tilespmem:$0xAB00] =	vst v58  }
0xd6: {  	v58 =	vld.idx.msk [tilespmem:v59+s14+$0x0], $0xffff  }
0xd7: {  	v60 =	vsub.s32 v51, v57;
	vm4 =	vgt.s32 v57, v50  }
0xd8: {  	v59 =	vsel vm4, v50, v60;
	_ =	sdelay $0x2  }
0xd9: {  	(v2sf) =	vpush v55, $0xF;
	v61 =	vadd.s32 v0, v58  }
0xda: {  	[tilespmem:$0xAB80] =	vst v61  }
0xdb: {  	(v2sf) =	vpush v56, $0xF;
	v55 =	vld.idx.msk [tilespmem:v59+s14+$0x0], $0xffff  }
0xdc: {  	v62 =	vsub.s32 v53, v57;
	vm4 =	vgt.s32 v57, v52  }
0xdd: {  	v56 =	vsel vm4, v52, v62;
	_ =	sdelay $0x2  }
0xde: {  	v55 =	vadd.s32 v0, v55  }
0xdf: {  	[tilespmem:$0xAC00] =	vst v55  }
0xe0: {  	v55 =	vld.idx.msk [tilespmem:v56+s14+$0x0], $0xffff;
	_ =	sdelay $0x4  }
0xe1: {  	v55 =	vadd.s32 v0, v55  }
0xe2: {  	s2 =	simm.s32 @p0 $0xA000;
	s0 =	simm.s32 @p0 $0x0;
	s30 =	spop (v2sf);
	[tilespmem:$0xAC80] =	vst v55  }
0xe3: {  	[hbm4b:s6+s0] =	stream.linear.scatter @p0 [tilespmem:s2], [sflag:$0x2], $0xD00, $0x38;
	[tilespmem:$0xDD80] =	vst v63  }
0xe4: {  	s31 =	spop (v2sf);
	s0 =	simm.s32 @p0 $0x2  }
0xe5: {  	_ =	swait.ge @p0 [sflag:s0], $0xD00  }
0xe6: {  	[sflag:s0] =	ssyncset.done @p0 $0x0  }
0xe7: {  	[sflag:s0] =	ssyncadd.s32 @p0 $0xFFFFF300  }
0xe8: {  	v63 =	vld [tilespmem:s15+$0xA000];
	_ =	sdelay $0x4  }
0xe9: {  	v60 =	vshrl.u32 v63, $0x3  }
0xea: {  	v56 =	vmul.u32 $0x30, v60  }
0xeb: {  	v55 =	vand.u32 $0x7, v63  }
0xec: {  	v61 =	vshrl.u32 v1, $0x3;
	v55 =	vor.u32 v55, v56  }
0xed: {  	v56 =	vmul.u32 $0x8, v61;
	v62 =	vperm.xlane v55, v54;
	_ =	sdelay $0x1  }
0xee: {  	v57 =	vadd.s32 v56, v62;
	_ =	sdelay $0x2  }
0xef: {  	v63 =	vor.u32 $0x8, v1  }
0xf0: {  	v55 =	vperm.xlane v55, v63  }
0xf1: {  	[tilespmem:s16], [sflag:$0x1] =	stream.indirect_vreg.gather [hbm4b:s1+s3], $0x80, v57, vm2, $0xb8;
	[tilespmem:$0xDD80] =	vst v63  }
0xf2: {  	v55 =	vadd.s32 v56, v55  }
0xf3: {  	[tilespmem:s17], [sflag:$0x1] =	stream.indirect_vreg.gather [hbm4b:s7+s3], $0x80, v57, vm2, $0xb8;
	[tilespmem:$0xDD80] =	vst v63  }
0xf4: {  	_ = 	snop  }
0xf5: {  	[tilespmem:s18], [sflag:$0x1] =	stream.indirect_vreg.gather [hbm4b:s8+s3], $0x80, v57, vm2, $0xb8;
	[tilespmem:$0xDD80] =	vst v63  }
0xf6: {  	_ = 	snop  }
0xf7: {  	[tilespmem:s19], [sflag:$0x1] =	stream.indirect_vreg.gather [hbm4b:s1+s3], $0x80, v55, vm2, $0xb8;
	[tilespmem:$0xDD80] =	vst v63  }
0xf8: {  	_ = 	snop  }
0xf9: {  	[tilespmem:s20], [sflag:$0x1] =	stream.indirect_vreg.gather [hbm4b:s7+s3], $0x80, v55, vm2, $0xb8;
	[tilespmem:$0xDD80] =	vst v63  }
0xfa: {  	_ = 	snop  }
0xfb: {  	[tilespmem:s21], [sflag:$0x1] =	stream.indirect_vreg.gather [hbm4b:s8+s3], $0x80, v55, vm2, $0xb8;
	[tilespmem:$0xDD80] =	vst v63  }
0xfc: {  	_ =	swait.ge [sflag:s22], $0x3000  }
0xfd: {  	[sflag:s22] =	ssyncset.done $0x0  }
0xfe: {  	[sflag:s22] =	ssyncadd.s32 $0xFFFFD000  }
0xff: {  	[hbm4b:s9+s3] =	stream.linear.scatter [tilespmem:s16], [sflag:$0x2], $0x3000, $0x38;
	[tilespmem:$0xDD80] =	vst v63  }
0x100: {  	_ =	swait.ge [sflag:s12], $0x3000  }
0x101: {  	[sflag:s12] =	ssyncset.done $0x0  }
0x102: {  	[sflag:s12] =	ssyncadd.s32 $0xFFFFD000  }
0x103: {  	v55 =	vld @!p1 [tilespmem:s23+$0xA000];
	_ =	sdelay $0x4  }
0x104: {  	v56 =	vshrl.u32 @!p1 v55, $0x3  }
0x105: {  	v56 =	vmul.u32 @!p1 $0x30, v56  }
0x106: {  	v57 =	vlaneseq.u32 @!p1;
	v55 =	vand.u32 @!p1 $0x7, v55  }
0x107: {  	v58 =	vshrl.u32 @!p1 v57, $0x3;
	v55 =	vor.u32 @!p1 v55, v56;
	v56 =	vand.u32 @!p1 $0x7, v57  }
0x108: {  	v58 =	vmul.u32 @!p1 $0x8, v58;
	v56 =	vperm.xlane @!p1 v55, v56;
	_ =	sdelay $0x1  }
0x109: {  	v56 =	vadd.s32 @!p1 v58, v56;
	_ =	sdelay $0x2  }
0x10a: {  	v57 =	vor.u32 @!p1 $0x8, v57  }
0x10b: {  	s2 =	simm.s32 @!p1 $0xAD80;
	s0 =	simm.s32 @!p1 $0x0;
	v55 =	vperm.xlane @!p1 v55, v57  }
0x10c: {  	[tilespmem:s2], [sflag:$0x1] =	stream.indirect_vreg.gather @!p1 [hbm4b:s1+s0], $0x80, v56, vm3, $0xb8;
	[tilespmem:$0xDD80] =	vst v63  }
0x10d: {  	s25 =	simm.s32 @!p1 $0xB580;
	v55 =	vadd.s32 @!p1 v58, v55  }
0x10e: {  	[tilespmem:s25], [sflag:$0x1] =	stream.indirect_vreg.gather @!p1 [hbm4b:s7+s0], $0x80, v56, vm3, $0xb8;
	[tilespmem:$0xDD80] =	vst v63  }
0x10f: {  	s25 =	simm.s32 @!p1 $0xBD80  }
0x110: {  	[tilespmem:s25], [sflag:$0x1] =	stream.indirect_vreg.gather @!p1 [hbm4b:s8+s0], $0x80, v56, vm3, $0xb8;
	[tilespmem:$0xDD80] =	vst v63  }
0x111: {  	s25 =	simm.s32 @!p1 $0xC580  }
0x112: {  	[tilespmem:s25], [sflag:$0x1] =	stream.indirect_vreg.gather @!p1 [hbm4b:s1+s0], $0x80, v55, vm3, $0xb8;
	[tilespmem:$0xDD80] =	vst v63  }
0x113: {  	s25 =	simm.s32 @!p1 $0xCD80  }
0x114: {  	[tilespmem:s25], [sflag:$0x1] =	stream.indirect_vreg.gather @!p1 [hbm4b:s7+s0], $0x80, v55, vm3, $0xb8;
	[tilespmem:$0xDD80] =	vst v63  }
0x115: {  	s25 =	simm.s32 @!p1 $0xD580  }
0x116: {  	[tilespmem:s25], [sflag:$0x1] =	stream.indirect_vreg.gather @!p1 [hbm4b:s8+s0], $0x80, v55, vm3, $0xb8;
	[tilespmem:$0xDD80] =	vst v63  }
0x117: {  	s25 =	simm.s32 @!p1 $0x1  }
0x118: {  	_ =	swait.ge @!p1 [sflag:s25], $0x3000  }
0x119: {  	s24 =	sadd.s32 $0x1, s24;
	[sflag:s25] =	ssyncset.done @!p1 $0x0  }
0x11a: {  	p2 =	sne.s32 s24, s11;
	[sflag:s25] =	ssyncadd.s32 @!p1 $0xFFFFD000  }
0x11b: {  	[hbm4b:s10+s0] =	stream.linear.scatter @!p1 [tilespmem:s2], [sflag:$0x2], $0x3000, $0x38;
	[tilespmem:$0xDD80] =	vst v63  }
.Ltmp1:
0x11c: {  	_ = 	snop;
	(pc) =	sbr.rel @p2 .LBB2_1-.Ltmp1, $4  }
0x11d: {  	s0 =	simm.s32 @!p1 $0x2  }
0x11e: {  	_ =	swait.ge @!p1 [sflag:s0], $0x3000  }
0x11f: {  	[sflag:s0] =	ssyncset.done @!p1 $0x0  }
0x120: {  	[sflag:s0] =	ssyncadd.s32 @!p1 $0xFFFFD000  }
0x121: {  	_ =	sfence.sel $0x180000  }
0x122: {  	[bflag:$0x0] =	sbarrier.arrive $0xFFFF  }
0x123: {  	_ =	strace $0x90000047  }
0x124: {  	s0 =	stileid.u32;
	[bflag:$0x2] =	sbarrier.arrive $0xFFFF  }
0x125: {  	p0 =	sne.s32 s0, $0x0;
	s0 =	rddreg [dreg:$0x2]  }
0x126: {  	s0 =	sadd.s32 @!p0 $0x100000, s0  }
0x127: {  	[sflag:s0] =	ssyncadd.tile.s32 @!p0 $0x1;
	_ =	shalt  }
.Lfunc_end2:
_tile_overlayer_lowered:
.L_overlay_start_2:
0x128: {  	(tag) =	ssettag $0x2  }
0x129: {  	s0 =	rddreg [dreg:$0x0];
	s2 =	stileid.u32  }
0x12a: {  	s1 =	rddreg [dreg:$0x1];
	p0 =	sne.s32 s2, $0x0  }
0x12b: {  	s3 =	rddreg [dreg:$0x2];
	[bflag:$0x3] =	sbarrier.arrive $0xFFFF;
	s2 =	simm.s32 @!p0 $0x1C02  }
0x12c: {  	[timem:s3], [sflag:s2] =	dma.local @!p0 [hbm:s0], s1  }
0x12d: {  	s0 =	simm.s32 @!p0 $0x2  }
0x12e: {  	_ =	swait.ge @!p0 [sflag:s0], s1  }
0x12f: {  	s1 =	ssub.s32 @!p0 $0x0, s1;
	[sflag:s0] =	ssyncset.done @!p0 $0x0  }
0x130: {  	[sflag:s0] =	ssyncadd.s32 @!p0 s1  }
0x131: {  	[bflag:$0x3] =	sbarrier.arrive $0xFFFF  }
0x132: {  	_ =	shalt  }

</sc_bundles>
